<compile_context>
chip_gen: v7x
topology: tpu7x:2x2x1
jax: 0.10.2.dev20260603
libtpu: 0.0.44.dev20260713+nightly
codegen_flags: <defaults>
</compile_context>

<pallas_src>
import functools

import jax
import jax.numpy as jnp
from jax import lax
from jax.experimental import pallas as pl
from jax.experimental.pallas import tpu as pltpu
from jax.experimental.pallas import tpu_sc as plsc

N = 8192
D = 128
BR = 256
BC = 256
NB = N // BR

_SC_CORES = 2
_SC_SUBCORES = 16
_SC_LANES = 16
_NW = _SC_CORES * _SC_SUBCORES
_BPW = N // _NW
_CH = 128
_NCH = _BPW // _CH


def _sq_body(x_ref, out_ref):
    x = x_ref[...]
    out_ref[...] = jnp.sum(x * x, axis=1, keepdims=True)


def _row_sq(x):
    return pl.pallas_call(
        _sq_body,
        out_shape=jax.ShapeDtypeStruct((N, 1), jnp.float32),
    )(x)


def _nn_body(bounds_ref, xr_ref, rb_ref, xf_ref, sqc_ref, cb_ref,
             out_ref, best_ref, blk_ref):
    i = pl.program_id(0)
    xr0 = xr_ref[...]
    sq_r = jnp.sum(xr0 * xr0, axis=1, keepdims=True)
    xr = xr0 * -2.0
    rb = rb_ref[...]
    col_iota = lax.broadcasted_iota(jnp.int32, (BR, BC), 1).astype(jnp.float32)
    eye = lax.broadcasted_iota(jnp.int32, (BR, BC), 0) == \
        lax.broadcasted_iota(jnp.int32, (BR, BC), 1)

    cb_lo = bounds_ref[0, i]
    cb_hi = bounds_ref[1, i]

    def masked_dist(cb):
        xct = xf_ref[:, pl.ds(cb * BC, BC)]
        prod = lax.dot_general(xr, xct, (((1,), (0,)), ((), ())),
                               preferred_element_type=jnp.float32)
        sq_c = sqc_ref[:, pl.ds(cb * BC, BC)]
        dist = (sq_r + sq_c) + prod
        col_b = cb_ref[:, pl.ds(cb * BC, BC)]
        invalid = (rb != col_b) | (eye & (cb == i))
        return jnp.where(invalid, jnp.inf, dist)

    best_ref[...] = masked_dist(cb_lo)
    blk_ref[...] = jnp.full((BR, BC), 1.0, jnp.float32) * cb_lo.astype(
        jnp.float32)

    def process(cb):
        dist = masked_dist(cb)
        improved = dist < best_ref[...]
        best_ref[...] = jnp.where(improved, dist, best_ref[...])
        blk_ref[...] = jnp.where(improved, cb.astype(jnp.float32),
                                 blk_ref[...])

    def body(t, _):
        a = cb_lo + 1 + 2 * t
        process(jnp.minimum(a, N // BC - 1))
        process(jnp.minimum(a + 1, N // BC - 1))
        return 0

    lax.fori_loop(0, (cb_hi - cb_lo) // 2, body, 0)

    bestv = best_ref[...]
    m = jnp.min(bestv, axis=1, keepdims=True)
    gidx = blk_ref[...] * float(BC) + col_iota
    amin = jnp.min(jnp.where(bestv == m, gidx, jnp.float32(1e9)),
                   axis=1, keepdims=True)
    self_idx = (i * BR + lax.broadcasted_iota(jnp.int32, (BR, 1), 0)
                ).astype(jnp.float32)
    bidx = jnp.where(jnp.isfinite(m), amin, self_idx)
    out_ref[...] = bidx.astype(jnp.int32)


def _nn_idx(x, batch32, bounds, sq_row):
    out = pl.pallas_call(
        _nn_body,
        grid=(NB,),
        in_specs=[
            pl.BlockSpec(memory_space=pltpu.SMEM),
            pl.BlockSpec((BR, D), lambda i: (i, 0)),
            pl.BlockSpec((BR, 1), lambda i: (i, 0)),
            pl.BlockSpec((D, N), lambda i: (0, 0)),
            pl.BlockSpec((1, N), lambda i: (0, 0)),
            pl.BlockSpec((1, N), lambda i: (0, 0)),
        ],
        out_specs=pl.BlockSpec((BR, 1), lambda i: (i, 0)),
        out_shape=jax.ShapeDtypeStruct((N, 1), jnp.int32),
        scratch_shapes=[pltpu.VMEM((BR, BC), jnp.float32),
                        pltpu.VMEM((BR, BC), jnp.float32)],
    )(bounds, x, batch32.reshape(N, 1), x.T, sq_row,
      batch32.reshape(1, N))
    return out.reshape(N)


def _sc_diff_body(x_hbm, idx_hbm, out_hbm, idx_v, own_v, nb_v, sem):
    wid = lax.axis_index("s") * _SC_CORES + lax.axis_index("c")
    base = wid * _BPW
    pltpu.sync_copy(idx_hbm.at[pl.ds(wid * _NCH, _NCH)], idx_v)
    pltpu.sync_copy(x_hbm.at[pl.ds(base, _BPW)], own_v)
    copies = [
        pltpu.async_copy(x_hbm.at[idx_v.at[k]], nb_v.at[pl.ds(k * _CH, _CH)], sem)
        for k in range(_NCH)
    ]
    for c in copies:
        c.wait()

    def row_body(r4, _):
        for rr in range(4):
            r = r4 * 4 + rr
            for d0 in range(0, D, _SC_LANES):
                sl = pl.ds(d0, _SC_LANES)
                own_v[r, sl] = own_v[r, sl] - nb_v[r, sl]
        return 0

    lax.fori_loop(0, _BPW // 4, row_body, 0)
    pltpu.sync_copy(own_v, out_hbm.at[pl.ds(base, _BPW)])


@functools.cache
def _sc_diff():
    return pl.kernel(
        _sc_diff_body,
        out_type=jax.ShapeDtypeStruct((N, D), jnp.float32),
        mesh=plsc.VectorSubcoreMesh(core_axis_name="c", subcore_axis_name="s"),
        scratch_types=[
            pltpu.VMEM((_NCH, _CH), jnp.int32),
            pltpu.VMEM((_BPW, D), jnp.float32),
            pltpu.VMEM((_BPW, D), jnp.float32),
            pltpu.SemaphoreType.DMA,
        ],
    )


def kernel(x, batch):
    batch32 = batch.astype(jnp.int32)
    b2 = batch32.reshape(NB, BR)
    sq_row = _row_sq(x).reshape(1, N)
    segs = jnp.arange(1, 9, dtype=jnp.int32)
    seg_bound = jnp.sum((batch32[:, None] < segs[None, :]), axis=0,
                        dtype=jnp.int32)
    seg_start = jnp.concatenate(
        [jnp.zeros((1,), jnp.int32), seg_bound[:7]])
    col_lo = jnp.take(seg_start, b2[:, 0])
    col_hi = jnp.take(seg_bound, b2[:, -1])
    bounds = jnp.stack([col_lo // BC, (col_hi + BC - 1) // BC])
    nn_idx = _nn_idx(x, batch32, bounds, sq_row)
    return _sc_diff()(x, nn_idx.reshape(N // _CH, _CH))

# --- scband reference (transcript-rebuilt; emitter-appended) ---
"""Pipeline reference for scband-min-dist-1408749273897 (READ-ONLY COPY).

The authoritative reference and input builder live on the scoring server;
editing this copy changes nothing except your own understanding.
"""

import jax, jax.numpy as jnp
import numpy as np

N = 8192
D = 128
NUM_SEG = 8

def setup_inputs(seed: int = 0) -> dict:
    key = jax.random.key(seed)
    k1, k2 = jax.random.split(key)
    x = jax.random.normal(k1, (N, D), dtype=jnp.float32)
    batch = jnp.sort(jax.random.randint(k2, (N,), 0, NUM_SEG).astype(jnp.int64))
    return {"x": x, "batch": batch}

def reference(x, batch):
    # MinDist with feat=True, concat=False, 2-dim input.
    # knn_graph(x, k=1, batch, loop=False): for each node i, nearest neighbor j
    # within the same batch segment (Euclidean). edge_index = [j, i].
    # ret = zeros_like(x); ret[i] = x[i] - x[nn(i)] for every node i that has a neighbor.
    n = x.shape[0]
    sq = jnp.sum(x * x, axis=1)
    # pairwise squared distances via matmul (compute-bound formulation)
    dist = sq[:, None] + sq[None, :] - 2.0 * (x @ x.T)
    invalid = (batch[:, None] != batch[None, :]) | jnp.eye(n, dtype=bool)
    dist = jnp.where(invalid, jnp.inf, dist)
    nn_idx = jnp.argmin(dist, axis=1)
    min_d = jnp.min(dist, axis=1)
    has_nb = jnp.isfinite(min_d)
    diff = x - jnp.take(x, nn_idx, axis=0)
    ret = jnp.where(has_nb[:, None], diff, jnp.zeros_like(diff))
    return ret

if __name__ == "__main__":
    import jax
    _d = setup_inputs()
    print(jax.jit(kernel)(*tuple(_d.values())))

</pallas_src>

<mosaic_0001>
#map = affine_map<(d0, d1) -> (0, 0)>
module attributes {stable_mosaic.version = 14 : i64} {
  func.func @_sc_diff_body(%arg0: i32, %arg1: i32, %arg2: memref<8192x128xf32, #tpu.memory_space<hbm>>, %arg3: memref<64x128xi32, #tpu.memory_space<hbm>>, %arg4: memref<8192x128xf32, #tpu.memory_space<hbm>>, %arg5: memref<2x128xi32, #tpu.memory_space<vmem>>, %arg6: memref<256x128xf32, #tpu.memory_space<vmem>>, %arg7: memref<256x128xf32, #tpu.memory_space<vmem>>, %arg8: memref<!tpu.dma_semaphore, #tpu.memory_space<semaphore_mem>>) attributes {dimension_semantics = [#tpu.dimension_semantics<core_parallel>, #tpu.dimension_semantics<subcore_parallel>], iteration_bounds = array<i64: 2, 16>, scalar_prefetch = 0 : i64, scratch_operands = 4 : i64, tpu.core_type = #tpu.core_type<sc_vector_subcore>, window_params = [{transform_indices = #map}, {transform_indices = #map}, {transform_indices = #map}]} {
    %mul3A = arith.constant 2 : i32
    %mul3A_0 = arith.muli %arg1, %mul3A : i32
    %add3A = arith.addi %mul3A_0, %arg0 : i32
    %mul3A_1 = arith.constant 256 : i32
    %mul3A_2 = arith.muli %add3A, %mul3A_1 : i32
    %mul3A_3 = arith.constant 2 : i32
    %mul3A_4 = arith.muli %add3A, %mul3A_3 : i32
    "tpu.region"() ({
      %run_scoped3A = tpu.sem_alloc : memref<!tpu.dma_semaphore, #tpu.memory_space<semaphore_mem>>
      %dma_start3A_49 = arith.constant 0 : i32
      %dma_start3A_50 = tpu.memref_slice %arg3[%mul3A_4, %dma_start3A_49] : memref<64x128xi32, #tpu.memory_space<hbm>> -> memref<2x128xi32, #tpu.memory_space<hbm>>
      %dma_start3A_51 = arith.constant 0 : i32
      %dma_start3A_52 = tpu.memref_slice %arg3[%mul3A_4, %dma_start3A_51] : memref<64x128xi32, #tpu.memory_space<hbm>> -> memref<2x128xi32, #tpu.memory_space<hbm>>
      tpu.enqueue_dma source(%dma_start3A_52 : memref<2x128xi32, #tpu.memory_space<hbm>>) target(%arg5 : memref<2x128xi32, #tpu.memory_space<vmem>>) target_semaphore(%run_scoped3A : memref<!tpu.dma_semaphore, #tpu.memory_space<semaphore_mem>>)
      %dma_wait3A_53 = arith.constant 0 : i32
      %dma_wait3A_54 = tpu.memref_slice %arg3[%mul3A_4, %dma_wait3A_53] : memref<64x128xi32, #tpu.memory_space<hbm>> -> memref<2x128xi32, #tpu.memory_space<hbm>>
      %dma_wait3A_55 = arith.constant 0 : i32
      %dma_wait3A_56 = tpu.memref_slice %arg3[%mul3A_4, %dma_wait3A_55] : memref<64x128xi32, #tpu.memory_space<hbm>> -> memref<2x128xi32, #tpu.memory_space<hbm>>
      tpu.wait_dma2 semaphore(%run_scoped3A : memref<!tpu.dma_semaphore, #tpu.memory_space<semaphore_mem>>) src(%dma_wait3A_56 : memref<2x128xi32, #tpu.memory_space<hbm>>) dst(%arg5 : memref<2x128xi32, #tpu.memory_space<vmem>>)
      tpu.yield
    }) : () -> ()
    "tpu.region"() ({
      %run_scoped3A = tpu.sem_alloc : memref<!tpu.dma_semaphore, #tpu.memory_space<semaphore_mem>>
      %dma_start3A_49 = arith.constant 0 : i32
      %dma_start3A_50 = tpu.memref_slice %arg2[%mul3A_2, %dma_start3A_49] : memref<8192x128xf32, #tpu.memory_space<hbm>> -> memref<256x128xf32, #tpu.memory_space<hbm>>
      %dma_start3A_51 = arith.constant 0 : i32
      %dma_start3A_52 = tpu.memref_slice %arg2[%mul3A_2, %dma_start3A_51] : memref<8192x128xf32, #tpu.memory_space<hbm>> -> memref<256x128xf32, #tpu.memory_space<hbm>>
      tpu.enqueue_dma source(%dma_start3A_52 : memref<256x128xf32, #tpu.memory_space<hbm>>) target(%arg6 : memref<256x128xf32, #tpu.memory_space<vmem>>) target_semaphore(%run_scoped3A : memref<!tpu.dma_semaphore, #tpu.memory_space<semaphore_mem>>)
      %dma_wait3A_53 = arith.constant 0 : i32
      %dma_wait3A_54 = tpu.memref_slice %arg2[%mul3A_2, %dma_wait3A_53] : memref<8192x128xf32, #tpu.memory_space<hbm>> -> memref<256x128xf32, #tpu.memory_space<hbm>>
      %dma_wait3A_55 = arith.constant 0 : i32
      %dma_wait3A_56 = tpu.memref_slice %arg2[%mul3A_2, %dma_wait3A_55] : memref<8192x128xf32, #tpu.memory_space<hbm>> -> memref<256x128xf32, #tpu.memory_space<hbm>>
      tpu.wait_dma2 semaphore(%run_scoped3A : memref<!tpu.dma_semaphore, #tpu.memory_space<semaphore_mem>>) src(%dma_wait3A_56 : memref<256x128xf32, #tpu.memory_space<hbm>>) dst(%arg6 : memref<256x128xf32, #tpu.memory_space<vmem>>)
      tpu.yield
    }) : () -> ()
    %dma_start3A = arith.constant 0 : i32
    %dma_start3A_5 = arith.constant 0 : i32
    %dma_start3A_6 = arith.constant 0 : i32
    %dma_start3A_7 = tpu.memref_slice %arg7[%dma_start3A_5, %dma_start3A_6] : memref<256x128xf32, #tpu.memory_space<vmem>> -> memref<128x128xf32, #tpu.memory_space<vmem>>
    %dma_start3A_8 = arith.constant 0 : i32
    %dma_start3A_9 = tpu.memref_slice %arg5[%dma_start3A, %dma_start3A_8] : memref<2x128xi32, #tpu.memory_space<vmem>> -> memref<1x128xi32, #tpu.memory_space<vmem>>
    %dma_start3A_10 = tpu.memref_squeeze %dma_start3A_9 : memref<1x128xi32, #tpu.memory_space<vmem>> -> memref<128xi32, #tpu.memory_space<vmem>>
    %dma_start3A_11 = arith.constant 0 : i32
    %dma_start3A_12 = arith.constant 0 : i32
    %dma_start3A_13 = tpu.memref_slice %arg2[%dma_start3A_11, %dma_start3A_12] : memref<8192x128xf32, #tpu.memory_space<hbm>> -> memref<8192x128xf32, #tpu.memory_space<hbm>>
    tpu.enqueue_indirect_dma source(%dma_start3A_13 : memref<8192x128xf32, #tpu.memory_space<hbm>>) target(%dma_start3A_7 : memref<128x128xf32, #tpu.memory_space<vmem>>) offsets(%dma_start3A_10 : memref<128xi32, #tpu.memory_space<vmem>>) semaphore(%arg8 : memref<!tpu.dma_semaphore, #tpu.memory_space<semaphore_mem>>)
    %dma_start3A_14 = arith.constant 1 : i32
    %dma_start3A_15 = arith.constant 128 : i32
    %dma_start3A_16 = arith.constant 0 : i32
    %dma_start3A_17 = tpu.memref_slice %arg7[%dma_start3A_15, %dma_start3A_16] : memref<256x128xf32, #tpu.memory_space<vmem>> -> memref<128x128xf32, #tpu.memory_space<vmem>>
    %dma_start3A_18 = arith.constant 0 : i32
    %dma_start3A_19 = tpu.memref_slice %arg5[%dma_start3A_14, %dma_start3A_18] : memref<2x128xi32, #tpu.memory_space<vmem>> -> memref<1x128xi32, #tpu.memory_space<vmem>>
    %dma_start3A_20 = tpu.memref_squeeze %dma_start3A_19 : memref<1x128xi32, #tpu.memory_space<vmem>> -> memref<128xi32, #tpu.memory_space<vmem>>
    %dma_start3A_21 = arith.constant 0 : i32
    %dma_start3A_22 = arith.constant 0 : i32
    %dma_start3A_23 = tpu.memref_slice %arg2[%dma_start3A_21, %dma_start3A_22] : memref<8192x128xf32, #tpu.memory_space<hbm>> -> memref<8192x128xf32, #tpu.memory_space<hbm>>
    tpu.enqueue_indirect_dma source(%dma_start3A_23 : memref<8192x128xf32, #tpu.memory_space<hbm>>) target(%dma_start3A_17 : memref<128x128xf32, #tpu.memory_space<vmem>>) offsets(%dma_start3A_20 : memref<128xi32, #tpu.memory_space<vmem>>) semaphore(%arg8 : memref<!tpu.dma_semaphore, #tpu.memory_space<semaphore_mem>>)
    %dma_wait3A = arith.constant 0 : i32
    %dma_wait3A_24 = arith.constant 0 : i32
    %dma_wait3A_25 = arith.constant 0 : i32
    %dma_wait3A_26 = tpu.memref_slice %arg7[%dma_wait3A_24, %dma_wait3A_25] : memref<256x128xf32, #tpu.memory_space<vmem>> -> memref<128x128xf32, #tpu.memory_space<vmem>>
    %dma_wait3A_27 = arith.constant 0 : i32
    %dma_wait3A_28 = tpu.memref_slice %arg5[%dma_wait3A, %dma_wait3A_27] : memref<2x128xi32, #tpu.memory_space<vmem>> -> memref<1x128xi32, #tpu.memory_space<vmem>>
    %dma_wait3A_29 = tpu.memref_squeeze %dma_wait3A_28 : memref<1x128xi32, #tpu.memory_space<vmem>> -> memref<128xi32, #tpu.memory_space<vmem>>
    %dma_wait3A_30 = arith.constant 0 : i32
    %dma_wait3A_31 = arith.constant 0 : i32
    %dma_wait3A_32 = tpu.memref_slice %arg2[%dma_wait3A_30, %dma_wait3A_31] : memref<8192x128xf32, #tpu.memory_space<hbm>> -> memref<8192x128xf32, #tpu.memory_space<hbm>>
    tpu.wait_indirect_dma semaphore(%arg8 : memref<!tpu.dma_semaphore, #tpu.memory_space<semaphore_mem>>) src(%dma_wait3A_32 : memref<8192x128xf32, #tpu.memory_space<hbm>>) dst(%dma_wait3A_26 : memref<128x128xf32, #tpu.memory_space<vmem>>)
    %dma_wait3A_33 = arith.constant 1 : i32
    %dma_wait3A_34 = arith.constant 128 : i32
    %dma_wait3A_35 = arith.constant 0 : i32
    %dma_wait3A_36 = tpu.memref_slice %arg7[%dma_wait3A_34, %dma_wait3A_35] : memref<256x128xf32, #tpu.memory_space<vmem>> -> memref<128x128xf32, #tpu.memory_space<vmem>>
    %dma_wait3A_37 = arith.constant 0 : i32
    %dma_wait3A_38 = tpu.memref_slice %arg5[%dma_wait3A_33, %dma_wait3A_37] : memref<2x128xi32, #tpu.memory_space<vmem>> -> memref<1x128xi32, #tpu.memory_space<vmem>>
    %dma_wait3A_39 = tpu.memref_squeeze %dma_wait3A_38 : memref<1x128xi32, #tpu.memory_space<vmem>> -> memref<128xi32, #tpu.memory_space<vmem>>
    %dma_wait3A_40 = arith.constant 0 : i32
    %dma_wait3A_41 = arith.constant 0 : i32
    %dma_wait3A_42 = tpu.memref_slice %arg2[%dma_wait3A_40, %dma_wait3A_41] : memref<8192x128xf32, #tpu.memory_space<hbm>> -> memref<8192x128xf32, #tpu.memory_space<hbm>>
    tpu.wait_indirect_dma semaphore(%arg8 : memref<!tpu.dma_semaphore, #tpu.memory_space<semaphore_mem>>) src(%dma_wait3A_42 : memref<8192x128xf32, #tpu.memory_space<hbm>>) dst(%dma_wait3A_36 : memref<128x128xf32, #tpu.memory_space<vmem>>)
    %scan3A = arith.constant 0 : i32
    %scan3A_43 = arith.constant 0 : i32
    %scan3A_44 = arith.constant 64 : i32
    %scan3A_45 = arith.addi %scan3A_43, %scan3A_44 : i32
    %scan3A_46 = arith.constant 1 : i32
    %scan3A_47 = scf.for %scan3A_49 = %scan3A_43 to %scan3A_45 step %scan3A_46 iter_args(%scan3A_50 = %scan3A) -> (i32)  : i32 {
      %mul3A_51 = arith.constant 4 : i32
      %mul3A_52 = arith.muli %scan3A_49, %mul3A_51 : i32
      %add3A_53 = arith.constant 0 : i32
      %add3A_54 = arith.addi %mul3A_52, %add3A_53 : i32
      %get3A = arith.index_cast %add3A_54 : i32 to index
      %get3A_55 = arith.constant 0 : index
      %get3A_56 = tpu.vector_load %arg6[%get3A, %get3A_55] {strides = array<i32>} : memref<256x128xf32, #tpu.memory_space<vmem>>, vector<1x16xf32>,
      %get3A_57 = vector.shape_cast %get3A_56 : vector<1x16xf32> to vector<16xf32>
      %get3A_58 = arith.index_cast %add3A_54 : i32 to index
      %get3A_59 = arith.constant 0 : index
      %get3A_60 = tpu.vector_load %arg7[%get3A_58, %get3A_59] {strides = array<i32>} : memref<256x128xf32, #tpu.memory_space<vmem>>, vector<1x16xf32>,
      %get3A_61 = vector.shape_cast %get3A_60 : vector<1x16xf32> to vector<16xf32>
      %sub3A = arith.subf %get3A_57, %get3A_61 : vector<16xf32>
      %swap3A = arith.index_cast %add3A_54 : i32 to index
      %swap3A_62 = arith.constant 0 : index
      %swap3A_63 = tpu.vector_load %arg6[%swap3A, %swap3A_62] {strides = array<i32>} : memref<256x128xf32, #tpu.memory_space<vmem>>, vector<1x16xf32>,
      %swap3A_64 = vector.shape_cast %swap3A_63 : vector<1x16xf32> to vector<16xf32>
      %swap3A_65 = vector.shape_cast %sub3A : vector<16xf32> to vector<1x16xf32>
      tpu.vector_store %arg6[%swap3A, %swap3A_62], %swap3A_65 {strides = array<i32>} : memref<256x128xf32, #tpu.memory_space<vmem>>, vector<1x16xf32>,
      %get3A_66 = arith.index_cast %add3A_54 : i32 to index
      %get3A_67 = arith.constant 16 : index
      %get3A_68 = tpu.vector_load %arg6[%get3A_66, %get3A_67] {strides = array<i32>} : memref<256x128xf32, #tpu.memory_space<vmem>>, vector<1x16xf32>,
      %get3A_69 = vector.shape_cast %get3A_68 : vector<1x16xf32> to vector<16xf32>
      %get3A_70 = arith.index_cast %add3A_54 : i32 to index
      %get3A_71 = arith.constant 16 : index
      %get3A_72 = tpu.vector_load %arg7[%get3A_70, %get3A_71] {strides = array<i32>} : memref<256x128xf32, #tpu.memory_space<vmem>>, vector<1x16xf32>,
      %get3A_73 = vector.shape_cast %get3A_72 : vector<1x16xf32> to vector<16xf32>
      %sub3A_74 = arith.subf %get3A_69, %get3A_73 : vector<16xf32>
      %swap3A_75 = arith.index_cast %add3A_54 : i32 to index
      %swap3A_76 = arith.constant 16 : index
      %swap3A_77 = tpu.vector_load %arg6[%swap3A_75, %swap3A_76] {strides = array<i32>} : memref<256x128xf32, #tpu.memory_space<vmem>>, vector<1x16xf32>,
      %swap3A_78 = vector.shape_cast %swap3A_77 : vector<1x16xf32> to vector<16xf32>
      %swap3A_79 = vector.shape_cast %sub3A_74 : vector<16xf32> to vector<1x16xf32>
      tpu.vector_store %arg6[%swap3A_75, %swap3A_76], %swap3A_79 {strides = array<i32>} : memref<256x128xf32, #tpu.memory_space<vmem>>, vector<1x16xf32>,
      %get3A_80 = arith.index_cast %add3A_54 : i32 to index
      %get3A_81 = arith.constant 32 : index
      %get3A_82 = tpu.vector_load %arg6[%get3A_80, %get3A_81] {strides = array<i32>} : memref<256x128xf32, #tpu.memory_space<vmem>>, vector<1x16xf32>,
      %get3A_83 = vector.shape_cast %get3A_82 : vector<1x16xf32> to vector<16xf32>
      %get3A_84 = arith.index_cast %add3A_54 : i32 to index
      %get3A_85 = arith.constant 32 : index
      %get3A_86 = tpu.vector_load %arg7[%get3A_84, %get3A_85] {strides = array<i32>} : memref<256x128xf32, #tpu.memory_space<vmem>>, vector<1x16xf32>,
      %get3A_87 = vector.shape_cast %get3A_86 : vector<1x16xf32> to vector<16xf32>
      %sub3A_88 = arith.subf %get3A_83, %get3A_87 : vector<16xf32>
      %swap3A_89 = arith.index_cast %add3A_54 : i32 to index
      %swap3A_90 = arith.constant 32 : index
      %swap3A_91 = tpu.vector_load %arg6[%swap3A_89, %swap3A_90] {strides = array<i32>} : memref<256x128xf32, #tpu.memory_space<vmem>>, vector<1x16xf32>,
      %swap3A_92 = vector.shape_cast %swap3A_91 : vector<1x16xf32> to vector<16xf32>
      %swap3A_93 = vector.shape_cast %sub3A_88 : vector<16xf32> to vector<1x16xf32>
      tpu.vector_store %arg6[%swap3A_89, %swap3A_90], %swap3A_93 {strides = array<i32>} : memref<256x128xf32, #tpu.memory_space<vmem>>, vector<1x16xf32>,
      %get3A_94 = arith.index_cast %add3A_54 : i32 to index
      %get3A_95 = arith.constant 48 : index
      %get3A_96 = tpu.vector_load %arg6[%get3A_94, %get3A_95] {strides = array<i32>} : memref<256x128xf32, #tpu.memory_space<vmem>>, vector<1x16xf32>,
      %get3A_97 = vector.shape_cast %get3A_96 : vector<1x16xf32> to vector<16xf32>
      %get3A_98 = arith.index_cast %add3A_54 : i32 to index
      %get3A_99 = arith.constant 48 : index
      %get3A_100 = tpu.vector_load %arg7[%get3A_98, %get3A_99] {strides = array<i32>} : memref<256x128xf32, #tpu.memory_space<vmem>>, vector<1x16xf32>,
      %get3A_101 = vector.shape_cast %get3A_100 : vector<1x16xf32> to vector<16xf32>
      %sub3A_102 = arith.subf %get3A_97, %get3A_101 : vector<16xf32>
      %swap3A_103 = arith.index_cast %add3A_54 : i32 to index
      %swap3A_104 = arith.constant 48 : index
      %swap3A_105 = tpu.vector_load %arg6[%swap3A_103, %swap3A_104] {strides = array<i32>} : memref<256x128xf32, #tpu.memory_space<vmem>>, vector<1x16xf32>,
      %swap3A_106 = vector.shape_cast %swap3A_105 : vector<1x16xf32> to vector<16xf32>
      %swap3A_107 = vector.shape_cast %sub3A_102 : vector<16xf32> to vector<1x16xf32>
      tpu.vector_store %arg6[%swap3A_103, %swap3A_104], %swap3A_107 {strides = array<i32>} : memref<256x128xf32, #tpu.memory_space<vmem>>, vector<1x16xf32>,
      %get3A_108 = arith.index_cast %add3A_54 : i32 to index
      %get3A_109 = arith.constant 64 : index
      %get3A_110 = tpu.vector_load %arg6[%get3A_108, %get3A_109] {strides = array<i32>} : memref<256x128xf32, #tpu.memory_space<vmem>>, vector<1x16xf32>,
      %get3A_111 = vector.shape_cast %get3A_110 : vector<1x16xf32> to vector<16xf32>
      %get3A_112 = arith.index_cast %add3A_54 : i32 to index
      %get3A_113 = arith.constant 64 : index
      %get3A_114 = tpu.vector_load %arg7[%get3A_112, %get3A_113] {strides = array<i32>} : memref<256x128xf32, #tpu.memory_space<vmem>>, vector<1x16xf32>,
      %get3A_115 = vector.shape_cast %get3A_114 : vector<1x16xf32> to vector<16xf32>
      %sub3A_116 = arith.subf %get3A_111, %get3A_115 : vector<16xf32>
      %swap3A_117 = arith.index_cast %add3A_54 : i32 to index
      %swap3A_118 = arith.constant 64 : index
      %swap3A_119 = tpu.vector_load %arg6[%swap3A_117, %swap3A_118] {strides = array<i32>} : memref<256x128xf32, #tpu.memory_space<vmem>>, vector<1x16xf32>,
      %swap3A_120 = vector.shape_cast %swap3A_119 : vector<1x16xf32> to vector<16xf32>
      %swap3A_121 = vector.shape_cast %sub3A_116 : vector<16xf32> to vector<1x16xf32>
      tpu.vector_store %arg6[%swap3A_117, %swap3A_118], %swap3A_121 {strides = array<i32>} : memref<256x128xf32, #tpu.memory_space<vmem>>, vector<1x16xf32>,
      %get3A_122 = arith.index_cast %add3A_54 : i32 to index
      %get3A_123 = arith.constant 80 : index
      %get3A_124 = tpu.vector_load %arg6[%get3A_122, %get3A_123] {strides = array<i32>} : memref<256x128xf32, #tpu.memory_space<vmem>>, vector<1x16xf32>,
      %get3A_125 = vector.shape_cast %get3A_124 : vector<1x16xf32> to vector<16xf32>
      %get3A_126 = arith.index_cast %add3A_54 : i32 to index
      %get3A_127 = arith.constant 80 : index
      %get3A_128 = tpu.vector_load %arg7[%get3A_126, %get3A_127] {strides = array<i32>} : memref<256x128xf32, #tpu.memory_space<vmem>>, vector<1x16xf32>,
      %get3A_129 = vector.shape_cast %get3A_128 : vector<1x16xf32> to vector<16xf32>
      %sub3A_130 = arith.subf %get3A_125, %get3A_129 : vector<16xf32>
      %swap3A_131 = arith.index_cast %add3A_54 : i32 to index
      %swap3A_132 = arith.constant 80 : index
      %swap3A_133 = tpu.vector_load %arg6[%swap3A_131, %swap3A_132] {strides = array<i32>} : memref<256x128xf32, #tpu.memory_space<vmem>>, vector<1x16xf32>,
      %swap3A_134 = vector.shape_cast %swap3A_133 : vector<1x16xf32> to vector<16xf32>
      %swap3A_135 = vector.shape_cast %sub3A_130 : vector<16xf32> to vector<1x16xf32>
      tpu.vector_store %arg6[%swap3A_131, %swap3A_132], %swap3A_135 {strides = array<i32>} : memref<256x128xf32, #tpu.memory_space<vmem>>, vector<1x16xf32>,
      %get3A_136 = arith.index_cast %add3A_54 : i32 to index
      %get3A_137 = arith.constant 96 : index
      %get3A_138 = tpu.vector_load %arg6[%get3A_136, %get3A_137] {strides = array<i32>} : memref<256x128xf32, #tpu.memory_space<vmem>>, vector<1x16xf32>,
      %get3A_139 = vector.shape_cast %get3A_138 : vector<1x16xf32> to vector<16xf32>
      %get3A_140 = arith.index_cast %add3A_54 : i32 to index
      %get3A_141 = arith.constant 96 : index
      %get3A_142 = tpu.vector_load %arg7[%get3A_140, %get3A_141] {strides = array<i32>} : memref<256x128xf32, #tpu.memory_space<vmem>>, vector<1x16xf32>,
      %get3A_143 = vector.shape_cast %get3A_142 : vector<1x16xf32> to vector<16xf32>
      %sub3A_144 = arith.subf %get3A_139, %get3A_143 : vector<16xf32>
      %swap3A_145 = arith.index_cast %add3A_54 : i32 to index
      %swap3A_146 = arith.constant 96 : index
      %swap3A_147 = tpu.vector_load %arg6[%swap3A_145, %swap3A_146] {strides = array<i32>} : memref<256x128xf32, #tpu.memory_space<vmem>>, vector<1x16xf32>,
      %swap3A_148 = vector.shape_cast %swap3A_147 : vector<1x16xf32> to vector<16xf32>
      %swap3A_149 = vector.shape_cast %sub3A_144 : vector<16xf32> to vector<1x16xf32>
      tpu.vector_store %arg6[%swap3A_145, %swap3A_146], %swap3A_149 {strides = array<i32>} : memref<256x128xf32, #tpu.memory_space<vmem>>, vector<1x16xf32>,
      %get3A_150 = arith.index_cast %add3A_54 : i32 to index
      %get3A_151 = arith.constant 112 : index
      %get3A_152 = tpu.vector_load %arg6[%get3A_150, %get3A_151] {strides = array<i32>} : memref<256x128xf32, #tpu.memory_space<vmem>>, vector<1x16xf32>,
      %get3A_153 = vector.shape_cast %get3A_152 : vector<1x16xf32> to vector<16xf32>
      %get3A_154 = arith.index_cast %add3A_54 : i32 to index
      %get3A_155 = arith.constant 112 : index
      %get3A_156 = tpu.vector_load %arg7[%get3A_154, %get3A_155] {strides = array<i32>} : memref<256x128xf32, #tpu.memory_space<vmem>>, vector<1x16xf32>,
      %get3A_157 = vector.shape_cast %get3A_156 : vector<1x16xf32> to vector<16xf32>
      %sub3A_158 = arith.subf %get3A_153, %get3A_157 : vector<16xf32>
      %swap3A_159 = arith.index_cast %add3A_54 : i32 to index
      %swap3A_160 = arith.constant 112 : index
      %swap3A_161 = tpu.vector_load %arg6[%swap3A_159, %swap3A_160] {strides = array<i32>} : memref<256x128xf32, #tpu.memory_space<vmem>>, vector<1x16xf32>,
      %swap3A_162 = vector.shape_cast %swap3A_161 : vector<1x16xf32> to vector<16xf32>
      %swap3A_163 = vector.shape_cast %sub3A_158 : vector<16xf32> to vector<1x16xf32>
      tpu.vector_store %arg6[%swap3A_159, %swap3A_160], %swap3A_163 {strides = array<i32>} : memref<256x128xf32, #tpu.memory_space<vmem>>, vector<1x16xf32>,
      %mul3A_164 = arith.constant 4 : i32
      %mul3A_165 = arith.muli %scan3A_49, %mul3A_164 : i32
      %add3A_166 = arith.constant 1 : i32
      %add3A_167 = arith.addi %mul3A_165, %add3A_166 : i32
      %get3A_168 = arith.index_cast %add3A_167 : i32 to index
      %get3A_169 = arith.constant 0 : index
      %get3A_170 = tpu.vector_load %arg6[%get3A_168, %get3A_169] {strides = array<i32>} : memref<256x128xf32, #tpu.memory_space<vmem>>, vector<1x16xf32>,
      %get3A_171 = vector.shape_cast %get3A_170 : vector<1x16xf32> to vector<16xf32>
      %get3A_172 = arith.index_cast %add3A_167 : i32 to index
      %get3A_173 = arith.constant 0 : index
      %get3A_174 = tpu.vector_load %arg7[%get3A_172, %get3A_173] {strides = array<i32>} : memref<256x128xf32, #tpu.memory_space<vmem>>, vector<1x16xf32>,
      %get3A_175 = vector.shape_cast %get3A_174 : vector<1x16xf32> to vector<16xf32>
      %sub3A_176 = arith.subf %get3A_171, %get3A_175 : vector<16xf32>
      %swap3A_177 = arith.index_cast %add3A_167 : i32 to index
      %swap3A_178 = arith.constant 0 : index
      %swap3A_179 = tpu.vector_load %arg6[%swap3A_177, %swap3A_178] {strides = array<i32>} : memref<256x128xf32, #tpu.memory_space<vmem>>, vector<1x16xf32>,
      %swap3A_180 = vector.shape_cast %swap3A_179 : vector<1x16xf32> to vector<16xf32>
      %swap3A_181 = vector.shape_cast %sub3A_176 : vector<16xf32> to vector<1x16xf32>
      tpu.vector_store %arg6[%swap3A_177, %swap3A_178], %swap3A_181 {strides = array<i32>} : memref<256x128xf32, #tpu.memory_space<vmem>>, vector<1x16xf32>,
      %get3A_182 = arith.index_cast %add3A_167 : i32 to index
      %get3A_183 = arith.constant 16 : index
      %get3A_184 = tpu.vector_load %arg6[%get3A_182, %get3A_183] {strides = array<i32>} : memref<256x128xf32, #tpu.memory_space<vmem>>, vector<1x16xf32>,
      %get3A_185 = vector.shape_cast %get3A_184 : vector<1x16xf32> to vector<16xf32>
      %get3A_186 = arith.index_cast %add3A_167 : i32 to index
      %get3A_187 = arith.constant 16 : index
      %get3A_188 = tpu.vector_load %arg7[%get3A_186, %get3A_187] {strides = array<i32>} : memref<256x128xf32, #tpu.memory_space<vmem>>, vector<1x16xf32>,
      %get3A_189 = vector.shape_cast %get3A_188 : vector<1x16xf32> to vector<16xf32>
      %sub3A_190 = arith.subf %get3A_185, %get3A_189 : vector<16xf32>
      %swap3A_191 = arith.index_cast %add3A_167 : i32 to index
      %swap3A_192 = arith.constant 16 : index
      %swap3A_193 = tpu.vector_load %arg6[%swap3A_191, %swap3A_192] {strides = array<i32>} : memref<256x128xf32, #tpu.memory_space<vmem>>, vector<1x16xf32>,
      %swap3A_194 = vector.shape_cast %swap3A_193 : vector<1x16xf32> to vector<16xf32>
      %swap3A_195 = vector.shape_cast %sub3A_190 : vector<16xf32> to vector<1x16xf32>
      tpu.vector_store %arg6[%swap3A_191, %swap3A_192], %swap3A_195 {strides = array<i32>} : memref<256x128xf32, #tpu.memory_space<vmem>>, vector<1x16xf32>,
      %get3A_196 = arith.index_cast %add3A_167 : i32 to index
      %get3A_197 = arith.constant 32 : index
      %get3A_198 = tpu.vector_load %arg6[%get3A_196, %get3A_197] {strides = array<i32>} : memref<256x128xf32, #tpu.memory_space<vmem>>, vector<1x16xf32>,
      %get3A_199 = vector.shape_cast %get3A_198 : vector<1x16xf32> to vector<16xf32>
      %get3A_200 = arith.index_cast %add3A_167 : i32 to index
      %get3A_201 = arith.constant 32 : index
      %get3A_202 = tpu.vector_load %arg7[%get3A_200, %get3A_201] {strides = array<i32>} : memref<256x128xf32, #tpu.memory_space<vmem>>, vector<1x16xf32>,
      %get3A_203 = vector.shape_cast %get3A_202 : vector<1x16xf32> to vector<16xf32>
      %sub3A_204 = arith.subf %get3A_199, %get3A_203 : vector<16xf32>
      %swap3A_205 = arith.index_cast %add3A_167 : i32 to index
      %swap3A_206 = arith.constant 32 : index
      %swap3A_207 = tpu.vector_load %arg6[%swap3A_205, %swap3A_206] {strides = array<i32>} : memref<256x128xf32, #tpu.memory_space<vmem>>, vector<1x16xf32>,
      %swap3A_208 = vector.shape_cast %swap3A_207 : vector<1x16xf32> to vector<16xf32>
      %swap3A_209 = vector.shape_cast %sub3A_204 : vector<16xf32> to vector<1x16xf32>
      tpu.vector_store %arg6[%swap3A_205, %swap3A_206], %swap3A_209 {strides = array<i32>} : memref<256x128xf32, #tpu.memory_space<vmem>>, vector<1x16xf32>,
      %get3A_210 = arith.index_cast %add3A_167 : i32 to index
      %get3A_211 = arith.constant 48 : index
      %get3A_212 = tpu.vector_load %arg6[%get3A_210, %get3A_211] {strides = array<i32>} : memref<256x128xf32, #tpu.memory_space<vmem>>, vector<1x16xf32>,
      %get3A_213 = vector.shape_cast %get3A_212 : vector<1x16xf32> to vector<16xf32>
      %get3A_214 = arith.index_cast %add3A_167 : i32 to index
      %get3A_215 = arith.constant 48 : index
      %get3A_216 = tpu.vector_load %arg7[%get3A_214, %get3A_215] {strides = array<i32>} : memref<256x128xf32, #tpu.memory_space<vmem>>, vector<1x16xf32>,
      %get3A_217 = vector.shape_cast %get3A_216 : vector<1x16xf32> to vector<16xf32>
      %sub3A_218 = arith.subf %get3A_213, %get3A_217 : vector<16xf32>
      %swap3A_219 = arith.index_cast %add3A_167 : i32 to index
      %swap3A_220 = arith.constant 48 : index
      %swap3A_221 = tpu.vector_load %arg6[%swap3A_219, %swap3A_220] {strides = array<i32>} : memref<256x128xf32, #tpu.memory_space<vmem>>, vector<1x16xf32>,
      %swap3A_222 = vector.shape_cast %swap3A_221 : vector<1x16xf32> to vector<16xf32>
      %swap3A_223 = vector.shape_cast %sub3A_218 : vector<16xf32> to vector<1x16xf32>
      tpu.vector_store %arg6[%swap3A_219, %swap3A_220], %swap3A_223 {strides = array<i32>} : memref<256x128xf32, #tpu.memory_space<vmem>>, vector<1x16xf32>,
      %get3A_224 = arith.index_cast %add3A_167 : i32 to index
      %get3A_225 = arith.constant 64 : index
      %get3A_226 = tpu.vector_load %arg6[%get3A_224, %get3A_225] {strides = array<i32>} : memref<256x128xf32, #tpu.memory_space<vmem>>, vector<1x16xf32>,
      %get3A_227 = vector.shape_cast %get3A_226 : vector<1x16xf32> to vector<16xf32>
      %get3A_228 = arith.index_cast %add3A_167 : i32 to index
      %get3A_229 = arith.constant 64 : index
      %get3A_230 = tpu.vector_load %arg7[%get3A_228, %get3A_229] {strides = array<i32>} : memref<256x128xf32, #tpu.memory_space<vmem>>, vector<1x16xf32>,
      %get3A_231 = vector.shape_cast %get3A_230 : vector<1x16xf32> to vector<16xf32>
      %sub3A_232 = arith.subf %get3A_227, %get3A_231 : vector<16xf32>
      %swap3A_233 = arith.index_cast %add3A_167 : i32 to index
      %swap3A_234 = arith.constant 64 : index
      %swap3A_235 = tpu.vector_load %arg6[%swap3A_233, %swap3A_234] {strides = array<i32>} : memref<256x128xf32, #tpu.memory_space<vmem>>, vector<1x16xf32>,
      %swap3A_236 = vector.shape_cast %swap3A_235 : vector<1x16xf32> to vector<16xf32>
      %swap3A_237 = vector.shape_cast %sub3A_232 : vector<16xf32> to vector<1x16xf32>
      tpu.vector_store %arg6[%swap3A_233, %swap3A_234], %swap3A_237 {strides = array<i32>} : memref<256x128xf32, #tpu.memory_space<vmem>>, vector<1x16xf32>,
      %get3A_238 = arith.index_cast %add3A_167 : i32 to index
      %get3A_239 = arith.constant 80 : index
      %get3A_240 = tpu.vector_load %arg6[%get3A_238, %get3A_239] {strides = array<i32>} : memref<256x128xf32, #tpu.memory_space<vmem>>, vector<1x16xf32>,
      %get3A_241 = vector.shape_cast %get3A_240 : vector<1x16xf32> to vector<16xf32>
      %get3A_242 = arith.index_cast %add3A_167 : i32 to index
      %get3A_243 = arith.constant 80 : index
      %get3A_244 = tpu.vector_load %arg7[%get3A_242, %get3A_243] {strides = array<i32>} : memref<256x128xf32, #tpu.memory_space<vmem>>, vector<1x16xf32>,
      %get3A_245 = vector.shape_cast %get3A_244 : vector<1x16xf32> to vector<16xf32>
      %sub3A_246 = arith.subf %get3A_241, %get3A_245 : vector<16xf32>
      %swap3A_247 = arith.index_cast %add3A_167 : i32 to index
      %swap3A_248 = arith.constant 80 : index
      %swap3A_249 = tpu.vector_load %arg6[%swap3A_247, %swap3A_248] {strides = array<i32>} : memref<256x128xf32, #tpu.memory_space<vmem>>, vector<1x16xf32>,
      %swap3A_250 = vector.shape_cast %swap3A_249 : vector<1x16xf32> to vector<16xf32>
      %swap3A_251 = vector.shape_cast %sub3A_246 : vector<16xf32> to vector<1x16xf32>
      tpu.vector_store %arg6[%swap3A_247, %swap3A_248], %swap3A_251 {strides = array<i32>} : memref<256x128xf32, #tpu.memory_space<vmem>>, vector<1x16xf32>,
      %get3A_252 = arith.index_cast %add3A_167 : i32 to index
      %get3A_253 = arith.constant 96 : index
      %get3A_254 = tpu.vector_load %arg6[%get3A_252, %get3A_253] {strides = array<i32>} : memref<256x128xf32, #tpu.memory_space<vmem>>, vector<1x16xf32>,
      %get3A_255 = vector.shape_cast %get3A_254 : vector<1x16xf32> to vector<16xf32>
      %get3A_256 = arith.index_cast %add3A_167 : i32 to index
      %get3A_257 = arith.constant 96 : index
      %get3A_258 = tpu.vector_load %arg7[%get3A_256, %get3A_257] {strides = array<i32>} : memref<256x128xf32, #tpu.memory_space<vmem>>, vector<1x16xf32>,
      %get3A_259 = vector.shape_cast %get3A_258 : vector<1x16xf32> to vector<16xf32>
      %sub3A_260 = arith.subf %get3A_255, %get3A_259 : vector<16xf32>
      %swap3A_261 = arith.index_cast %add3A_167 : i32 to index
      %swap3A_262 = arith.constant 96 : index
      %swap3A_263 = tpu.vector_load %arg6[%swap3A_261, %swap3A_262] {strides = array<i32>} : memref<256x128xf32, #tpu.memory_space<vmem>>, vector<1x16xf32>,
      %swap3A_264 = vector.shape_cast %swap3A_263 : vector<1x16xf32> to vector<16xf32>
      %swap3A_265 = vector.shape_cast %sub3A_260 : vector<16xf32> to vector<1x16xf32>
      tpu.vector_store %arg6[%swap3A_261, %swap3A_262], %swap3A_265 {strides = array<i32>} : memref<256x128xf32, #tpu.memory_space<vmem>>, vector<1x16xf32>,
      %get3A_266 = arith.index_cast %add3A_167 : i32 to index
      %get3A_267 = arith.constant 112 : index
      %get3A_268 = tpu.vector_load %arg6[%get3A_266, %get3A_267] {strides = array<i32>} : memref<256x128xf32, #tpu.memory_space<vmem>>, vector<1x16xf32>,
      %get3A_269 = vector.shape_cast %get3A_268 : vector<1x16xf32> to vector<16xf32>
      %get3A_270 = arith.index_cast %add3A_167 : i32 to index
      %get3A_271 = arith.constant 112 : index
      %get3A_272 = tpu.vector_load %arg7[%get3A_270, %get3A_271] {strides = array<i32>} : memref<256x128xf32, #tpu.memory_space<vmem>>, vector<1x16xf32>,
      %get3A_273 = vector.shape_cast %get3A_272 : vector<1x16xf32> to vector<16xf32>
      %sub3A_274 = arith.subf %get3A_269, %get3A_273 : vector<16xf32>
      %swap3A_275 = arith.index_cast %add3A_167 : i32 to index
      %swap3A_276 = arith.constant 112 : index
      %swap3A_277 = tpu.vector_load %arg6[%swap3A_275, %swap3A_276] {strides = array<i32>} : memref<256x128xf32, #tpu.memory_space<vmem>>, vector<1x16xf32>,
      %swap3A_278 = vector.shape_cast %swap3A_277 : vector<1x16xf32> to vector<16xf32>
      %swap3A_279 = vector.shape_cast %sub3A_274 : vector<16xf32> to vector<1x16xf32>
      tpu.vector_store %arg6[%swap3A_275, %swap3A_276], %swap3A_279 {strides = array<i32>} : memref<256x128xf32, #tpu.memory_space<vmem>>, vector<1x16xf32>,
      %mul3A_280 = arith.constant 4 : i32
      %mul3A_281 = arith.muli %scan3A_49, %mul3A_280 : i32
      %add3A_282 = arith.constant 2 : i32
      %add3A_283 = arith.addi %mul3A_281, %add3A_282 : i32
      %get3A_284 = arith.index_cast %add3A_283 : i32 to index
      %get3A_285 = arith.constant 0 : index
      %get3A_286 = tpu.vector_load %arg6[%get3A_284, %get3A_285] {strides = array<i32>} : memref<256x128xf32, #tpu.memory_space<vmem>>, vector<1x16xf32>,
      %get3A_287 = vector.shape_cast %get3A_286 : vector<1x16xf32> to vector<16xf32>
      %get3A_288 = arith.index_cast %add3A_283 : i32 to index
      %get3A_289 = arith.constant 0 : index
      %get3A_290 = tpu.vector_load %arg7[%get3A_288, %get3A_289] {strides = array<i32>} : memref<256x128xf32, #tpu.memory_space<vmem>>, vector<1x16xf32>,
      %get3A_291 = vector.shape_cast %get3A_290 : vector<1x16xf32> to vector<16xf32>
      %sub3A_292 = arith.subf %get3A_287, %get3A_291 : vector<16xf32>
      %swap3A_293 = arith.index_cast %add3A_283 : i32 to index
      %swap3A_294 = arith.constant 0 : index
      %swap3A_295 = tpu.vector_load %arg6[%swap3A_293, %swap3A_294] {strides = array<i32>} : memref<256x128xf32, #tpu.memory_space<vmem>>, vector<1x16xf32>,
      %swap3A_296 = vector.shape_cast %swap3A_295 : vector<1x16xf32> to vector<16xf32>
      %swap3A_297 = vector.shape_cast %sub3A_292 : vector<16xf32> to vector<1x16xf32>
      tpu.vector_store %arg6[%swap3A_293, %swap3A_294], %swap3A_297 {strides = array<i32>} : memref<256x128xf32, #tpu.memory_space<vmem>>, vector<1x16xf32>,
      %get3A_298 = arith.index_cast %add3A_283 : i32 to index
      %get3A_299 = arith.constant 16 : index
      %get3A_300 = tpu.vector_load %arg6[%get3A_298, %get3A_299] {strides = array<i32>} : memref<256x128xf32, #tpu.memory_space<vmem>>, vector<1x16xf32>,
      %get3A_301 = vector.shape_cast %get3A_300 : vector<1x16xf32> to vector<16xf32>
      %get3A_302 = arith.index_cast %add3A_283 : i32 to index
      %get3A_303 = arith.constant 16 : index
      %get3A_304 = tpu.vector_load %arg7[%get3A_302, %get3A_303] {strides = array<i32>} : memref<256x128xf32, #tpu.memory_space<vmem>>, vector<1x16xf32>,
      %get3A_305 = vector.shape_cast %get3A_304 : vector<1x16xf32> to vector<16xf32>
      %sub3A_306 = arith.subf %get3A_301, %get3A_305 : vector<16xf32>
      %swap3A_307 = arith.index_cast %add3A_283 : i32 to index
      %swap3A_308 = arith.constant 16 : index
      %swap3A_309 = tpu.vector_load %arg6[%swap3A_307, %swap3A_308] {strides = array<i32>} : memref<256x128xf32, #tpu.memory_space<vmem>>, vector<1x16xf32>,
      %swap3A_310 = vector.shape_cast %swap3A_309 : vector<1x16xf32> to vector<16xf32>
      %swap3A_311 = vector.shape_cast %sub3A_306 : vector<16xf32> to vector<1x16xf32>
      tpu.vector_store %arg6[%swap3A_307, %swap3A_308], %swap3A_311 {strides = array<i32>} : memref<256x128xf32, #tpu.memory_space<vmem>>, vector<1x16xf32>,
      %get3A_312 = arith.index_cast %add3A_283 : i32 to index
      %get3A_313 = arith.constant 32 : index
      %get3A_314 = tpu.vector_load %arg6[%get3A_312, %get3A_313] {strides = array<i32>} : memref<256x128xf32, #tpu.memory_space<vmem>>, vector<1x16xf32>,
      %get3A_315 = vector.shape_cast %get3A_314 : vector<1x16xf32> to vector<16xf32>
      %get3A_316 = arith.index_cast %add3A_283 : i32 to index
      %get3A_317 = arith.constant 32 : index
      %get3A_318 = tpu.vector_load %arg7[%get3A_316, %get3A_317] {strides = array<i32>} : memref<256x128xf32, #tpu.memory_space<vmem>>, vector<1x16xf32>,
      %get3A_319 = vector.shape_cast %get3A_318 : vector<1x16xf32> to vector<16xf32>
      %sub3A_320 = arith.subf %get3A_315, %get3A_319 : vector<16xf32>
      %swap3A_321 = arith.index_cast %add3A_283 : i32 to index
      %swap3A_322 = arith.constant 32 : index
      %swap3A_323 = tpu.vector_load %arg6[%swap3A_321, %swap3A_322] {strides = array<i32>} : memref<256x128xf32, #tpu.memory_space<vmem>>, vector<1x16xf32>,
      %swap3A_324 = vector.shape_cast %swap3A_323 : vector<1x16xf32> to vector<16xf32>
      %swap3A_325 = vector.shape_cast %sub3A_320 : vector<16xf32> to vector<1x16xf32>
      tpu.vector_store %arg6[%swap3A_321, %swap3A_322], %swap3A_325 {strides = array<i32>} : memref<256x128xf32, #tpu.memory_space<vmem>>, vector<1x16xf32>,
      %get3A_326 = arith.index_cast %add3A_283 : i32 to index
      %get3A_327 = arith.constant 48 : index
      %get3A_328 = tpu.vector_load %arg6[%get3A_326, %get3A_327] {strides = array<i32>} : memref<256x128xf32, #tpu.memory_space<vmem>>, vector<1x16xf32>,
      %get3A_329 = vector.shape_cast %get3A_328 : vector<1x16xf32> to vector<16xf32>
      %get3A_330 = arith.index_cast %add3A_283 : i32 to index
      %get3A_331 = arith.constant 48 : index
      %get3A_332 = tpu.vector_load %arg7[%get3A_330, %get3A_331] {strides = array<i32>} : memref<256x128xf32, #tpu.memory_space<vmem>>, vector<1x16xf32>,
      %get3A_333 = vector.shape_cast %get3A_332 : vector<1x16xf32> to vector<16xf32>
      %sub3A_334 = arith.subf %get3A_329, %get3A_333 : vector<16xf32>
      %swap3A_335 = arith.index_cast %add3A_283 : i32 to index
      %swap3A_336 = arith.constant 48 : index
      %swap3A_337 = tpu.vector_load %arg6[%swap3A_335, %swap3A_336] {strides = array<i32>} : memref<256x128xf32, #tpu.memory_space<vmem>>, vector<1x16xf32>,
      %swap3A_338 = vector.shape_cast %swap3A_337 : vector<1x16xf32> to vector<16xf32>
      %swap3A_339 = vector.shape_cast %sub3A_334 : vector<16xf32> to vector<1x16xf32>
      tpu.vector_store %arg6[%swap3A_335, %swap3A_336], %swap3A_339 {strides = array<i32>} : memref<256x128xf32, #tpu.memory_space<vmem>>, vector<1x16xf32>,
      %get3A_340 = arith.index_cast %add3A_283 : i32 to index
      %get3A_341 = arith.constant 64 : index
      %get3A_342 = tpu.vector_load %arg6[%get3A_340, %get3A_341] {strides = array<i32>} : memref<256x128xf32, #tpu.memory_space<vmem>>, vector<1x16xf32>,
      %get3A_343 = vector.shape_cast %get3A_342 : vector<1x16xf32> to vector<16xf32>
      %get3A_344 = arith.index_cast %add3A_283 : i32 to index
      %get3A_345 = arith.constant 64 : index
      %get3A_346 = tpu.vector_load %arg7[%get3A_344, %get3A_345] {strides = array<i32>} : memref<256x128xf32, #tpu.memory_space<vmem>>, vector<1x16xf32>,
      %get3A_347 = vector.shape_cast %get3A_346 : vector<1x16xf32> to vector<16xf32>
      %sub3A_348 = arith.subf %get3A_343, %get3A_347 : vector<16xf32>
      %swap3A_349 = arith.index_cast %add3A_283 : i32 to index
      %swap3A_350 = arith.constant 64 : index
      %swap3A_351 = tpu.vector_load %arg6[%swap3A_349, %swap3A_350] {strides = array<i32>} : memref<256x128xf32, #tpu.memory_space<vmem>>, vector<1x16xf32>,
      %swap3A_352 = vector.shape_cast %swap3A_351 : vector<1x16xf32> to vector<16xf32>
      %swap3A_353 = vector.shape_cast %sub3A_348 : vector<16xf32> to vector<1x16xf32>
      tpu.vector_store %arg6[%swap3A_349, %swap3A_350], %swap3A_353 {strides = array<i32>} : memref<256x128xf32, #tpu.memory_space<vmem>>, vector<1x16xf32>,
      %get3A_354 = arith.index_cast %add3A_283 : i32 to index
      %get3A_355 = arith.constant 80 : index
      %get3A_356 = tpu.vector_load %arg6[%get3A_354, %get3A_355] {strides = array<i32>} : memref<256x128xf32, #tpu.memory_space<vmem>>, vector<1x16xf32>,
      %get3A_357 = vector.shape_cast %get3A_356 : vector<1x16xf32> to vector<16xf32>
      %get3A_358 = arith.index_cast %add3A_283 : i32 to index
      %get3A_359 = arith.constant 80 : index
      %get3A_360 = tpu.vector_load %arg7[%get3A_358, %get3A_359] {strides = array<i32>} : memref<256x128xf32, #tpu.memory_space<vmem>>, vector<1x16xf32>,
      %get3A_361 = vector.shape_cast %get3A_360 : vector<1x16xf32> to vector<16xf32>
      %sub3A_362 = arith.subf %get3A_357, %get3A_361 : vector<16xf32>
      %swap3A_363 = arith.index_cast %add3A_283 : i32 to index
      %swap3A_364 = arith.constant 80 : index
      %swap3A_365 = tpu.vector_load %arg6[%swap3A_363, %swap3A_364] {strides = array<i32>} : memref<256x128xf32, #tpu.memory_space<vmem>>, vector<1x16xf32>,
      %swap3A_366 = vector.shape_cast %swap3A_365 : vector<1x16xf32> to vector<16xf32>
      %swap3A_367 = vector.shape_cast %sub3A_362 : vector<16xf32> to vector<1x16xf32>
      tpu.vector_store %arg6[%swap3A_363, %swap3A_364], %swap3A_367 {strides = array<i32>} : memref<256x128xf32, #tpu.memory_space<vmem>>, vector<1x16xf32>,
      %get3A_368 = arith.index_cast %add3A_283 : i32 to index
      %get3A_369 = arith.constant 96 : index
      %get3A_370 = tpu.vector_load %arg6[%get3A_368, %get3A_369] {strides = array<i32>} : memref<256x128xf32, #tpu.memory_space<vmem>>, vector<1x16xf32>,
      %get3A_371 = vector.shape_cast %get3A_370 : vector<1x16xf32> to vector<16xf32>
      %get3A_372 = arith.index_cast %add3A_283 : i32 to index
      %get3A_373 = arith.constant 96 : index
      %get3A_374 = tpu.vector_load %arg7[%get3A_372, %get3A_373] {strides = array<i32>} : memref<256x128xf32, #tpu.memory_space<vmem>>, vector<1x16xf32>,
      %get3A_375 = vector.shape_cast %get3A_374 : vector<1x16xf32> to vector<16xf32>
      %sub3A_376 = arith.subf %get3A_371, %get3A_375 : vector<16xf32>
      %swap3A_377 = arith.index_cast %add3A_283 : i32 to index
      %swap3A_378 = arith.constant 96 : index
      %swap3A_379 = tpu.vector_load %arg6[%swap3A_377, %swap3A_378] {strides = array<i32>} : memref<256x128xf32, #tpu.memory_space<vmem>>, vector<1x16xf32>,
      %swap3A_380 = vector.shape_cast %swap3A_379 : vector<1x16xf32> to vector<16xf32>
      %swap3A_381 = vector.shape_cast %sub3A_376 : vector<16xf32> to vector<1x16xf32>
      tpu.vector_store %arg6[%swap3A_377, %swap3A_378], %swap3A_381 {strides = array<i32>} : memref<256x128xf32, #tpu.memory_space<vmem>>, vector<1x16xf32>,
      %get3A_382 = arith.index_cast %add3A_283 : i32 to index
      %get3A_383 = arith.constant 112 : index
      %get3A_384 = tpu.vector_load %arg6[%get3A_382, %get3A_383] {strides = array<i32>} : memref<256x128xf32, #tpu.memory_space<vmem>>, vector<1x16xf32>,
      %get3A_385 = vector.shape_cast %get3A_384 : vector<1x16xf32> to vector<16xf32>
      %get3A_386 = arith.index_cast %add3A_283 : i32 to index
      %get3A_387 = arith.constant 112 : index
      %get3A_388 = tpu.vector_load %arg7[%get3A_386, %get3A_387] {strides = array<i32>} : memref<256x128xf32, #tpu.memory_space<vmem>>, vector<1x16xf32>,
      %get3A_389 = vector.shape_cast %get3A_388 : vector<1x16xf32> to vector<16xf32>
      %sub3A_390 = arith.subf %get3A_385, %get3A_389 : vector<16xf32>
      %swap3A_391 = arith.index_cast %add3A_283 : i32 to index
      %swap3A_392 = arith.constant 112 : index
      %swap3A_393 = tpu.vector_load %arg6[%swap3A_391, %swap3A_392] {strides = array<i32>} : memref<256x128xf32, #tpu.memory_space<vmem>>, vector<1x16xf32>,
      %swap3A_394 = vector.shape_cast %swap3A_393 : vector<1x16xf32> to vector<16xf32>
      %swap3A_395 = vector.shape_cast %sub3A_390 : vector<16xf32> to vector<1x16xf32>
      tpu.vector_store %arg6[%swap3A_391, %swap3A_392], %swap3A_395 {strides = array<i32>} : memref<256x128xf32, #tpu.memory_space<vmem>>, vector<1x16xf32>,
      %mul3A_396 = arith.constant 4 : i32
      %mul3A_397 = arith.muli %scan3A_49, %mul3A_396 : i32
      %add3A_398 = arith.constant 3 : i32
      %add3A_399 = arith.addi %mul3A_397, %add3A_398 : i32
      %get3A_400 = arith.index_cast %add3A_399 : i32 to index
      %get3A_401 = arith.constant 0 : index
      %get3A_402 = tpu.vector_load %arg6[%get3A_400, %get3A_401] {strides = array<i32>} : memref<256x128xf32, #tpu.memory_space<vmem>>, vector<1x16xf32>,
      %get3A_403 = vector.shape_cast %get3A_402 : vector<1x16xf32> to vector<16xf32>
      %get3A_404 = arith.index_cast %add3A_399 : i32 to index
      %get3A_405 = arith.constant 0 : index
      %get3A_406 = tpu.vector_load %arg7[%get3A_404, %get3A_405] {strides = array<i32>} : memref<256x128xf32, #tpu.memory_space<vmem>>, vector<1x16xf32>,
      %get3A_407 = vector.shape_cast %get3A_406 : vector<1x16xf32> to vector<16xf32>
      %sub3A_408 = arith.subf %get3A_403, %get3A_407 : vector<16xf32>
      %swap3A_409 = arith.index_cast %add3A_399 : i32 to index
      %swap3A_410 = arith.constant 0 : index
      %swap3A_411 = tpu.vector_load %arg6[%swap3A_409, %swap3A_410] {strides = array<i32>} : memref<256x128xf32, #tpu.memory_space<vmem>>, vector<1x16xf32>,
      %swap3A_412 = vector.shape_cast %swap3A_411 : vector<1x16xf32> to vector<16xf32>
      %swap3A_413 = vector.shape_cast %sub3A_408 : vector<16xf32> to vector<1x16xf32>
      tpu.vector_store %arg6[%swap3A_409, %swap3A_410], %swap3A_413 {strides = array<i32>} : memref<256x128xf32, #tpu.memory_space<vmem>>, vector<1x16xf32>,
      %get3A_414 = arith.index_cast %add3A_399 : i32 to index
      %get3A_415 = arith.constant 16 : index
      %get3A_416 = tpu.vector_load %arg6[%get3A_414, %get3A_415] {strides = array<i32>} : memref<256x128xf32, #tpu.memory_space<vmem>>, vector<1x16xf32>,
      %get3A_417 = vector.shape_cast %get3A_416 : vector<1x16xf32> to vector<16xf32>
      %get3A_418 = arith.index_cast %add3A_399 : i32 to index
      %get3A_419 = arith.constant 16 : index
      %get3A_420 = tpu.vector_load %arg7[%get3A_418, %get3A_419] {strides = array<i32>} : memref<256x128xf32, #tpu.memory_space<vmem>>, vector<1x16xf32>,
      %get3A_421 = vector.shape_cast %get3A_420 : vector<1x16xf32> to vector<16xf32>
      %sub3A_422 = arith.subf %get3A_417, %get3A_421 : vector<16xf32>
      %swap3A_423 = arith.index_cast %add3A_399 : i32 to index
      %swap3A_424 = arith.constant 16 : index
      %swap3A_425 = tpu.vector_load %arg6[%swap3A_423, %swap3A_424] {strides = array<i32>} : memref<256x128xf32, #tpu.memory_space<vmem>>, vector<1x16xf32>,
      %swap3A_426 = vector.shape_cast %swap3A_425 : vector<1x16xf32> to vector<16xf32>
      %swap3A_427 = vector.shape_cast %sub3A_422 : vector<16xf32> to vector<1x16xf32>
      tpu.vector_store %arg6[%swap3A_423, %swap3A_424], %swap3A_427 {strides = array<i32>} : memref<256x128xf32, #tpu.memory_space<vmem>>, vector<1x16xf32>,
      %get3A_428 = arith.index_cast %add3A_399 : i32 to index
      %get3A_429 = arith.constant 32 : index
      %get3A_430 = tpu.vector_load %arg6[%get3A_428, %get3A_429] {strides = array<i32>} : memref<256x128xf32, #tpu.memory_space<vmem>>, vector<1x16xf32>,
      %get3A_431 = vector.shape_cast %get3A_430 : vector<1x16xf32> to vector<16xf32>
      %get3A_432 = arith.index_cast %add3A_399 : i32 to index
      %get3A_433 = arith.constant 32 : index
      %get3A_434 = tpu.vector_load %arg7[%get3A_432, %get3A_433] {strides = array<i32>} : memref<256x128xf32, #tpu.memory_space<vmem>>, vector<1x16xf32>,
      %get3A_435 = vector.shape_cast %get3A_434 : vector<1x16xf32> to vector<16xf32>
      %sub3A_436 = arith.subf %get3A_431, %get3A_435 : vector<16xf32>
      %swap3A_437 = arith.index_cast %add3A_399 : i32 to index
      %swap3A_438 = arith.constant 32 : index
      %swap3A_439 = tpu.vector_load %arg6[%swap3A_437, %swap3A_438] {strides = array<i32>} : memref<256x128xf32, #tpu.memory_space<vmem>>, vector<1x16xf32>,
      %swap3A_440 = vector.shape_cast %swap3A_439 : vector<1x16xf32> to vector<16xf32>
      %swap3A_441 = vector.shape_cast %sub3A_436 : vector<16xf32> to vector<1x16xf32>
      tpu.vector_store %arg6[%swap3A_437, %swap3A_438], %swap3A_441 {strides = array<i32>} : memref<256x128xf32, #tpu.memory_space<vmem>>, vector<1x16xf32>,
      %get3A_442 = arith.index_cast %add3A_399 : i32 to index
      %get3A_443 = arith.constant 48 : index
      %get3A_444 = tpu.vector_load %arg6[%get3A_442, %get3A_443] {strides = array<i32>} : memref<256x128xf32, #tpu.memory_space<vmem>>, vector<1x16xf32>,
      %get3A_445 = vector.shape_cast %get3A_444 : vector<1x16xf32> to vector<16xf32>
      %get3A_446 = arith.index_cast %add3A_399 : i32 to index
      %get3A_447 = arith.constant 48 : index
      %get3A_448 = tpu.vector_load %arg7[%get3A_446, %get3A_447] {strides = array<i32>} : memref<256x128xf32, #tpu.memory_space<vmem>>, vector<1x16xf32>,
      %get3A_449 = vector.shape_cast %get3A_448 : vector<1x16xf32> to vector<16xf32>
      %sub3A_450 = arith.subf %get3A_445, %get3A_449 : vector<16xf32>
      %swap3A_451 = arith.index_cast %add3A_399 : i32 to index
      %swap3A_452 = arith.constant 48 : index
      %swap3A_453 = tpu.vector_load %arg6[%swap3A_451, %swap3A_452] {strides = array<i32>} : memref<256x128xf32, #tpu.memory_space<vmem>>, vector<1x16xf32>,
      %swap3A_454 = vector.shape_cast %swap3A_453 : vector<1x16xf32> to vector<16xf32>
      %swap3A_455 = vector.shape_cast %sub3A_450 : vector<16xf32> to vector<1x16xf32>
      tpu.vector_store %arg6[%swap3A_451, %swap3A_452], %swap3A_455 {strides = array<i32>} : memref<256x128xf32, #tpu.memory_space<vmem>>, vector<1x16xf32>,
      %get3A_456 = arith.index_cast %add3A_399 : i32 to index
      %get3A_457 = arith.constant 64 : index
      %get3A_458 = tpu.vector_load %arg6[%get3A_456, %get3A_457] {strides = array<i32>} : memref<256x128xf32, #tpu.memory_space<vmem>>, vector<1x16xf32>,
      %get3A_459 = vector.shape_cast %get3A_458 : vector<1x16xf32> to vector<16xf32>
      %get3A_460 = arith.index_cast %add3A_399 : i32 to index
      %get3A_461 = arith.constant 64 : index
      %get3A_462 = tpu.vector_load %arg7[%get3A_460, %get3A_461] {strides = array<i32>} : memref<256x128xf32, #tpu.memory_space<vmem>>, vector<1x16xf32>,
      %get3A_463 = vector.shape_cast %get3A_462 : vector<1x16xf32> to vector<16xf32>
      %sub3A_464 = arith.subf %get3A_459, %get3A_463 : vector<16xf32>
      %swap3A_465 = arith.index_cast %add3A_399 : i32 to index
      %swap3A_466 = arith.constant 64 : index
      %swap3A_467 = tpu.vector_load %arg6[%swap3A_465, %swap3A_466] {strides = array<i32>} : memref<256x128xf32, #tpu.memory_space<vmem>>, vector<1x16xf32>,
      %swap3A_468 = vector.shape_cast %swap3A_467 : vector<1x16xf32> to vector<16xf32>
      %swap3A_469 = vector.shape_cast %sub3A_464 : vector<16xf32> to vector<1x16xf32>
      tpu.vector_store %arg6[%swap3A_465, %swap3A_466], %swap3A_469 {strides = array<i32>} : memref<256x128xf32, #tpu.memory_space<vmem>>, vector<1x16xf32>,
      %get3A_470 = arith.index_cast %add3A_399 : i32 to index
      %get3A_471 = arith.constant 80 : index
      %get3A_472 = tpu.vector_load %arg6[%get3A_470, %get3A_471] {strides = array<i32>} : memref<256x128xf32, #tpu.memory_space<vmem>>, vector<1x16xf32>,
      %get3A_473 = vector.shape_cast %get3A_472 : vector<1x16xf32> to vector<16xf32>
      %get3A_474 = arith.index_cast %add3A_399 : i32 to index
      %get3A_475 = arith.constant 80 : index
      %get3A_476 = tpu.vector_load %arg7[%get3A_474, %get3A_475] {strides = array<i32>} : memref<256x128xf32, #tpu.memory_space<vmem>>, vector<1x16xf32>,
      %get3A_477 = vector.shape_cast %get3A_476 : vector<1x16xf32> to vector<16xf32>
      %sub3A_478 = arith.subf %get3A_473, %get3A_477 : vector<16xf32>
      %swap3A_479 = arith.index_cast %add3A_399 : i32 to index
      %swap3A_480 = arith.constant 80 : index
      %swap3A_481 = tpu.vector_load %arg6[%swap3A_479, %swap3A_480] {strides = array<i32>} : memref<256x128xf32, #tpu.memory_space<vmem>>, vector<1x16xf32>,
      %swap3A_482 = vector.shape_cast %swap3A_481 : vector<1x16xf32> to vector<16xf32>
      %swap3A_483 = vector.shape_cast %sub3A_478 : vector<16xf32> to vector<1x16xf32>
      tpu.vector_store %arg6[%swap3A_479, %swap3A_480], %swap3A_483 {strides = array<i32>} : memref<256x128xf32, #tpu.memory_space<vmem>>, vector<1x16xf32>,
      %get3A_484 = arith.index_cast %add3A_399 : i32 to index
      %get3A_485 = arith.constant 96 : index
      %get3A_486 = tpu.vector_load %arg6[%get3A_484, %get3A_485] {strides = array<i32>} : memref<256x128xf32, #tpu.memory_space<vmem>>, vector<1x16xf32>,
      %get3A_487 = vector.shape_cast %get3A_486 : vector<1x16xf32> to vector<16xf32>
      %get3A_488 = arith.index_cast %add3A_399 : i32 to index
      %get3A_489 = arith.constant 96 : index
      %get3A_490 = tpu.vector_load %arg7[%get3A_488, %get3A_489] {strides = array<i32>} : memref<256x128xf32, #tpu.memory_space<vmem>>, vector<1x16xf32>,
      %get3A_491 = vector.shape_cast %get3A_490 : vector<1x16xf32> to vector<16xf32>
      %sub3A_492 = arith.subf %get3A_487, %get3A_491 : vector<16xf32>
      %swap3A_493 = arith.index_cast %add3A_399 : i32 to index
      %swap3A_494 = arith.constant 96 : index
      %swap3A_495 = tpu.vector_load %arg6[%swap3A_493, %swap3A_494] {strides = array<i32>} : memref<256x128xf32, #tpu.memory_space<vmem>>, vector<1x16xf32>,
      %swap3A_496 = vector.shape_cast %swap3A_495 : vector<1x16xf32> to vector<16xf32>
      %swap3A_497 = vector.shape_cast %sub3A_492 : vector<16xf32> to vector<1x16xf32>
      tpu.vector_store %arg6[%swap3A_493, %swap3A_494], %swap3A_497 {strides = array<i32>} : memref<256x128xf32, #tpu.memory_space<vmem>>, vector<1x16xf32>,
      %get3A_498 = arith.index_cast %add3A_399 : i32 to index
      %get3A_499 = arith.constant 112 : index
      %get3A_500 = tpu.vector_load %arg6[%get3A_498, %get3A_499] {strides = array<i32>} : memref<256x128xf32, #tpu.memory_space<vmem>>, vector<1x16xf32>,
      %get3A_501 = vector.shape_cast %get3A_500 : vector<1x16xf32> to vector<16xf32>
      %get3A_502 = arith.index_cast %add3A_399 : i32 to index
      %get3A_503 = arith.constant 112 : index
      %get3A_504 = tpu.vector_load %arg7[%get3A_502, %get3A_503] {strides = array<i32>} : memref<256x128xf32, #tpu.memory_space<vmem>>, vector<1x16xf32>,
      %get3A_505 = vector.shape_cast %get3A_504 : vector<1x16xf32> to vector<16xf32>
      %sub3A_506 = arith.subf %get3A_501, %get3A_505 : vector<16xf32>
      %swap3A_507 = arith.index_cast %add3A_399 : i32 to index
      %swap3A_508 = arith.constant 112 : index
      %swap3A_509 = tpu.vector_load %arg6[%swap3A_507, %swap3A_508] {strides = array<i32>} : memref<256x128xf32, #tpu.memory_space<vmem>>, vector<1x16xf32>,
      %swap3A_510 = vector.shape_cast %swap3A_509 : vector<1x16xf32> to vector<16xf32>
      %swap3A_511 = vector.shape_cast %sub3A_506 : vector<16xf32> to vector<1x16xf32>
      tpu.vector_store %arg6[%swap3A_507, %swap3A_508], %swap3A_511 {strides = array<i32>} : memref<256x128xf32, #tpu.memory_space<vmem>>, vector<1x16xf32>,
      %scan3A_512 = arith.constant 0 : i32
      scf.yield %scan3A_512 : i32
    }
    %scan3A_48 = arith.constant 64 : i32
    "tpu.region"() ({
      %run_scoped3A = tpu.sem_alloc : memref<!tpu.dma_semaphore, #tpu.memory_space<semaphore_mem>>
      %dma_start3A_49 = arith.constant 0 : i32
      %dma_start3A_50 = tpu.memref_slice %arg4[%mul3A_2, %dma_start3A_49] : memref<8192x128xf32, #tpu.memory_space<hbm>> -> memref<256x128xf32, #tpu.memory_space<hbm>>
      %dma_start3A_51 = arith.constant 0 : i32
      %dma_start3A_52 = tpu.memref_slice %arg4[%mul3A_2, %dma_start3A_51] : memref<8192x128xf32, #tpu.memory_space<hbm>> -> memref<256x128xf32, #tpu.memory_space<hbm>>
      tpu.enqueue_dma source(%arg6 : memref<256x128xf32, #tpu.memory_space<vmem>>) target(%dma_start3A_52 : memref<256x128xf32, #tpu.memory_space<hbm>>) target_semaphore(%run_scoped3A : memref<!tpu.dma_semaphore, #tpu.memory_space<semaphore_mem>>)
      %dma_wait3A_53 = arith.constant 0 : i32
      %dma_wait3A_54 = tpu.memref_slice %arg4[%mul3A_2, %dma_wait3A_53] : memref<8192x128xf32, #tpu.memory_space<hbm>> -> memref<256x128xf32, #tpu.memory_space<hbm>>
      %dma_wait3A_55 = arith.constant 0 : i32
      %dma_wait3A_56 = tpu.memref_slice %arg4[%mul3A_2, %dma_wait3A_55] : memref<8192x128xf32, #tpu.memory_space<hbm>> -> memref<256x128xf32, #tpu.memory_space<hbm>>
      tpu.wait_dma2 semaphore(%run_scoped3A : memref<!tpu.dma_semaphore, #tpu.memory_space<semaphore_mem>>) src(%arg6 : memref<256x128xf32, #tpu.memory_space<vmem>>) dst(%dma_wait3A_56 : memref<256x128xf32, #tpu.memory_space<hbm>>)
      tpu.yield
    }) : () -> ()
    return
  }
}

module attributes {stable_mosaic.version = 14 : i64} {
  func.func @_sq_body(%arg0: memref<8192x128xf32, #tpu.memory_space<vmem>>, %arg1: memref<8192x1xf32, #tpu.memory_space<vmem>>) attributes {dimension_semantics = [], scalar_prefetch = 0 : i64, scratch_operands = 0 : i64, tpu.core_type = #tpu.core_type<tc>} {
    %get3A = arith.constant 0 : index
    %get3A_0 = arith.constant 0 : index
    %get3A_1 = vector.load %arg0[%get3A, %get3A_0] : memref<8192x128xf32, #tpu.memory_space<vmem>>, vector<8192x128xf32>
    %mul3A = arith.mulf %get3A_1, %get3A_1 : vector<8192x128xf32>
    %reduce_sum3A = arith.constant dense<0.000000e+00> : vector<8192xf32>
    %reduce_sum3A_2 = vector.multi_reduction <add>, %mul3A, %reduce_sum3A [1] : vector<8192x128xf32> to vector<8192xf32>
    %broadcast_in_dim3A = vector.shape_cast %reduce_sum3A_2 : vector<8192xf32> to vector<8192x1xf32>
    %swap3A = arith.constant 0 : index
    %swap3A_3 = arith.constant 0 : index
    %swap3A_4 = vector.load %arg1[%swap3A, %swap3A_3] : memref<8192x1xf32, #tpu.memory_space<vmem>>, vector<8192x1xf32>
    tpu.vector_store %arg1[%swap3A, %swap3A_3], %broadcast_in_dim3A {strides = array<i32>} : memref<8192x1xf32, #tpu.memory_space<vmem>>, vector<8192x1xf32>,
    return
  }
}

module attributes {stable_mosaic.version = 14 : i64} {
  func.func @_nn_body(%arg0: i32, %arg1: memref<2x32xi32, #tpu.memory_space<smem>>, %arg2: memref<256x128xf32, #tpu.memory_space<vmem>>, %arg3: memref<256x1xi32, #tpu.memory_space<vmem>>, %arg4: memref<128x8192xf32, #tpu.memory_space<vmem>>, %arg5: memref<1x8192xf32, #tpu.memory_space<vmem>>, %arg6: memref<1x8192xi32, #tpu.memory_space<vmem>>, %arg7: memref<256x1xi32, #tpu.memory_space<vmem>>, %arg8: memref<256x256xf32, #tpu.memory_space<vmem>>, %arg9: memref<256x256xf32, #tpu.memory_space<vmem>>) attributes {dimension_semantics = [#tpu.dimension_semantics<arbitrary>], iteration_bounds = array<i64: 32>, scalar_prefetch = 0 : i64, scratch_operands = 2 : i64, tpu.core_type = #tpu.core_type<tc>, window_params = [{transform_indices = @transform_0, window_bounds = array<i64: 2, 32>}, {transform_indices = @transform_1, window_bounds = array<i64: 256, 128>}, {transform_indices = @transform_2, window_bounds = array<i64: 256, 1>}, {pipeline_mode = #tpu.pipeline_mode<synchronous>, transform_indices = @transform_3, window_bounds = array<i64: 128, 8192>}, {pipeline_mode = #tpu.pipeline_mode<synchronous>, transform_indices = @transform_4, window_bounds = array<i64: 1, 8192>}, {pipeline_mode = #tpu.pipeline_mode<synchronous>, transform_indices = @transform_5, window_bounds = array<i64: 1, 8192>}, {transform_indices = @transform_6, window_bounds = array<i64: 256, 1>}]} {
    %get3A = arith.constant 0 : index
    %get3A_0 = arith.constant 0 : index
    %get3A_1 = vector.load %arg2[%get3A, %get3A_0] : memref<256x128xf32, #tpu.memory_space<vmem>>, vector<256x128xf32>
    %mul3A = arith.mulf %get3A_1, %get3A_1 : vector<256x128xf32>
    %reduce_sum3A = arith.constant dense<0.000000e+00> : vector<256xf32>
    %reduce_sum3A_2 = vector.multi_reduction <add>, %mul3A, %reduce_sum3A [1] : vector<256x128xf32> to vector<256xf32>
    %broadcast_in_dim3A = vector.shape_cast %reduce_sum3A_2 : vector<256xf32> to vector<256x1xf32>
    %mul3A_3 = arith.constant -2.000000e+00 : f32
    %mul3A_4 = vector.broadcast %mul3A_3 : f32 to vector<256x128xf32>
    %mul3A_5 = arith.mulf %get3A_1, %mul3A_4 : vector<256x128xf32>
    %get3A_6 = arith.constant 0 : index
    %get3A_7 = arith.constant 0 : index
    %get3A_8 = vector.load %arg3[%get3A_6, %get3A_7] : memref<256x1xi32, #tpu.memory_space<vmem>>, vector<256x1xi32>
    %iota3A = tpu.iota {dimensions = array<i32: 1>} : vector<256x256xi32>
    %convert_element_type3A = arith.sitofp %iota3A : vector<256x256xi32> to vector<256x256xf32>
    %iota3A_9 = tpu.iota {dimensions = array<i32: 0>} : vector<256x256xi32>
    %iota3A_10 = tpu.iota {dimensions = array<i32: 1>} : vector<256x256xi32>
    %eq3A = arith.cmpi eq, %iota3A_9, %iota3A_10 : vector<256x256xi32>
    %get3A_11 = arith.constant 0 : index
    %get3A_12 = arith.index_cast %arg0 : i32 to index
    %get3A_13 = memref.load %arg1[%get3A_11, %get3A_12] : memref<2x32xi32, #tpu.memory_space<smem>>
    %get3A_14 = arith.constant 1 : index
    %get3A_15 = arith.index_cast %arg0 : i32 to index
    %get3A_16 = memref.load %arg1[%get3A_14, %get3A_15] : memref<2x32xi32, #tpu.memory_space<smem>>
    %mul3A_17 = arith.constant 256 : i32
    %mul3A_18 = arith.muli %get3A_13, %mul3A_17 : i32
    %get3A_19 = arith.constant 0 : index
    %get3A_20 = arith.index_cast %mul3A_18 : i32 to index
    %get3A_21 = vector.load %arg4[%get3A_19, %get3A_20] : memref<128x8192xf32, #tpu.memory_space<vmem>>, vector<128x256xf32>
    %dot_general3A = arith.constant dense<0.000000e+00> : vector<256x256xf32>
    %dot_general3A_22 = tpu.matmul %mul3A_5, %get3A_21, %dot_general3A {dimension_numbers = #tpu.dot_dimension_numbers<[1], [0], [0], [1], [0, 0, 1, 1], [], []>, transpose_lhs_hint = false} : vector<256x128xf32>, vector<128x256xf32>, vector<256x256xf32> -> vector<256x256xf32>
    %mul3A_23 = arith.constant 256 : i32
    %mul3A_24 = arith.muli %get3A_13, %mul3A_23 : i32
    %get3A_25 = arith.constant 0 : index
    %get3A_26 = arith.index_cast %mul3A_24 : i32 to index
    %get3A_27 = vector.load %arg5[%get3A_25, %get3A_26] : memref<1x8192xf32, #tpu.memory_space<vmem>>, vector<1x256xf32>
    %add3A = vector.broadcast %broadcast_in_dim3A : vector<256x1xf32> to vector<256x256xf32>
    %add3A_28 = vector.broadcast %get3A_27 : vector<1x256xf32> to vector<256x256xf32>
    %add3A_29 = arith.addf %add3A, %add3A_28 : vector<256x256xf32>
    %add3A_30 = arith.addf %add3A_29, %dot_general3A_22 : vector<256x256xf32>
    %mul3A_31 = arith.constant 256 : i32
    %mul3A_32 = arith.muli %get3A_13, %mul3A_31 : i32
    %get3A_33 = arith.constant 0 : index
    %get3A_34 = arith.index_cast %mul3A_32 : i32 to index
    %get3A_35 = vector.load %arg6[%get3A_33, %get3A_34] : memref<1x8192xi32, #tpu.memory_space<vmem>>, vector<1x256xi32>
    %ne3A = vector.broadcast %get3A_8 : vector<256x1xi32> to vector<256x256xi32>
    %ne3A_36 = vector.broadcast %get3A_35 : vector<1x256xi32> to vector<256x256xi32>
    %ne3A_37 = arith.cmpi ne, %ne3A, %ne3A_36 : vector<256x256xi32>
    %eq3A_38 = arith.cmpi eq, %get3A_13, %arg0 : i32
    %and3A = vector.broadcast %eq3A_38 : i1 to vector<256x256xi1>
    %and3A_39 = arith.andi %eq3A, %and3A : vector<256x256xi1>
    %or3A = arith.ori %ne3A_37, %and3A_39 : vector<256x256xi1>
    %jit3A = arith.constant 0x7F800000 : f32
    %broadcast_in_dim3A_40 = vector.broadcast %jit3A : f32 to vector<256x256xf32>
    %select_n3A = arith.select %or3A, %broadcast_in_dim3A_40, %add3A_30 : vector<256x256xi1>, vector<256x256xf32>
    %swap3A = arith.constant 0 : index
    %swap3A_41 = arith.constant 0 : index
    %swap3A_42 = vector.load %arg8[%swap3A, %swap3A_41] : memref<256x256xf32, #tpu.memory_space<vmem>>, vector<256x256xf32>
    tpu.vector_store %arg8[%swap3A, %swap3A_41], %select_n3A {strides = array<i32>} : memref<256x256xf32, #tpu.memory_space<vmem>>, vector<256x256xf32>,
    %broadcast_in_dim3A_43 = arith.constant 1.000000e+00 : f32
    %broadcast_in_dim3A_44 = vector.broadcast %broadcast_in_dim3A_43 : f32 to vector<256x256xf32>
    %convert_element_type3A_45 = arith.sitofp %get3A_13 : i32 to f32
    %mul3A_46 = vector.broadcast %convert_element_type3A_45 : f32 to vector<256x256xf32>
    %mul3A_47 = arith.mulf %broadcast_in_dim3A_44, %mul3A_46 : vector<256x256xf32>
    %swap3A_48 = arith.constant 0 : index
    %swap3A_49 = arith.constant 0 : index
    %swap3A_50 = vector.load %arg9[%swap3A_48, %swap3A_49] : memref<256x256xf32, #tpu.memory_space<vmem>>, vector<256x256xf32>
    tpu.vector_store %arg9[%swap3A_48, %swap3A_49], %mul3A_47 {strides = array<i32>} : memref<256x256xf32, #tpu.memory_space<vmem>>, vector<256x256xf32>,
    %sub3A = arith.subi %get3A_16, %get3A_13 : i32
    %jit3A_51 = arith.constant 2 : i32
    %div3A = arith.divsi %sub3A, %jit3A_51 : i32
    %sign3A = arith.constant 0 : i32
    %sign3A_52 = arith.cmpi sgt, %sub3A, %sign3A : i32
    %sign3A_53 = arith.extui %sign3A_52 : i1 to i32
    %sign3A_54 = arith.constant 0 : i32
    %sign3A_55 = arith.cmpi slt, %sub3A, %sign3A_54 : i32
    %sign3A_56 = arith.extui %sign3A_55 : i1 to i32
    %sign3A_57 = arith.subi %sign3A_53, %sign3A_56 : i32
    %sign3A_58 = arith.constant 0 : i32
    %sign3A_59 = arith.cmpi sgt, %jit3A_51, %sign3A_58 : i32
    %sign3A_60 = arith.extui %sign3A_59 : i1 to i32
    %sign3A_61 = arith.constant 0 : i32
    %sign3A_62 = arith.cmpi slt, %jit3A_51, %sign3A_61 : i32
    %sign3A_63 = arith.extui %sign3A_62 : i1 to i32
    %sign3A_64 = arith.subi %sign3A_60, %sign3A_63 : i32
    %ne3A_65 = arith.cmpi ne, %sign3A_57, %sign3A_64 : i32
    %rem3A = arith.remsi %sub3A, %jit3A_51 : i32
    %ne3A_66 = arith.constant 0 : i32
    %ne3A_67 = arith.cmpi ne, %rem3A, %ne3A_66 : i32
    %and3A_68 = arith.andi %ne3A_65, %ne3A_67 : i1
    %sub3A_69 = arith.constant 1 : i32
    %sub3A_70 = arith.subi %div3A, %sub3A_69 : i32
    %select_n3A_71 = arith.select %and3A_68, %sub3A_70, %div3A : i32
    %while3A = arith.constant 0 : i32
    %while3A_72 = arith.constant 0 : i32
    %while3A_73 = arith.subi %select_n3A_71, %while3A : i32
    %while3A_74 = arith.addi %while3A, %while3A_73 : i32
    %while3A_75 = arith.constant 1 : i32
    %while3A_76 = arith.divsi %while3A_73, %while3A_75 : i32
    %while3A_77 = arith.muli %while3A_76, %while3A_75 : i32
    %while3A_78 = arith.addi %while3A, %while3A_77 : i32
    %while3A_79 = arith.constant 1 : i32
    %while3A_80 = scf.for %while3A_116 = %while3A to %while3A_78 step %while3A_79 iter_args(%while3A_117 = %while3A_72) -> (i32)  : i32 {
      %add3A_118 = arith.constant 1 : i32
      %add3A_119 = arith.addi %get3A_13, %add3A_118 : i32
      %mul3A_120 = arith.constant 2 : i32
      %mul3A_121 = arith.muli %mul3A_120, %while3A_116 : i32
      %add3A_122 = arith.addi %add3A_119, %mul3A_121 : i32
      %min3A = arith.constant 31 : i32
      %min3A_123 = arith.minsi %add3A_122, %min3A : i32
      %mul3A_124 = arith.constant 256 : i32
      %mul3A_125 = arith.muli %min3A_123, %mul3A_124 : i32
      %get3A_126 = arith.constant 0 : index
      %get3A_127 = arith.index_cast %mul3A_125 : i32 to index
      %get3A_128 = vector.load %arg4[%get3A_126, %get3A_127] : memref<128x8192xf32, #tpu.memory_space<vmem>>, vector<128x256xf32>
      %dot_general3A_129 = arith.constant dense<0.000000e+00> : vector<256x256xf32>
      %dot_general3A_130 = tpu.matmul %mul3A_5, %get3A_128, %dot_general3A_129 {dimension_numbers = #tpu.dot_dimension_numbers<[1], [0], [0], [1], [0, 0, 1, 1], [], []>, transpose_lhs_hint = false} : vector<256x128xf32>, vector<128x256xf32>, vector<256x256xf32> -> vector<256x256xf32>
      %mul3A_131 = arith.constant 256 : i32
      %mul3A_132 = arith.muli %min3A_123, %mul3A_131 : i32
      %get3A_133 = arith.constant 0 : index
      %get3A_134 = arith.index_cast %mul3A_132 : i32 to index
      %get3A_135 = vector.load %arg5[%get3A_133, %get3A_134] : memref<1x8192xf32, #tpu.memory_space<vmem>>, vector<1x256xf32>
      %add3A_136 = vector.broadcast %broadcast_in_dim3A : vector<256x1xf32> to vector<256x256xf32>
      %add3A_137 = vector.broadcast %get3A_135 : vector<1x256xf32> to vector<256x256xf32>
      %add3A_138 = arith.addf %add3A_136, %add3A_137 : vector<256x256xf32>
      %add3A_139 = arith.addf %add3A_138, %dot_general3A_130 : vector<256x256xf32>
      %mul3A_140 = arith.constant 256 : i32
      %mul3A_141 = arith.muli %min3A_123, %mul3A_140 : i32
      %get3A_142 = arith.constant 0 : index
      %get3A_143 = arith.index_cast %mul3A_141 : i32 to index
      %get3A_144 = vector.load %arg6[%get3A_142, %get3A_143] : memref<1x8192xi32, #tpu.memory_space<vmem>>, vector<1x256xi32>
      %ne3A_145 = vector.broadcast %get3A_8 : vector<256x1xi32> to vector<256x256xi32>
      %ne3A_146 = vector.broadcast %get3A_144 : vector<1x256xi32> to vector<256x256xi32>
      %ne3A_147 = arith.cmpi ne, %ne3A_145, %ne3A_146 : vector<256x256xi32>
      %eq3A_148 = arith.cmpi eq, %min3A_123, %arg0 : i32
      %and3A_149 = vector.broadcast %eq3A_148 : i1 to vector<256x256xi1>
      %and3A_150 = arith.andi %eq3A, %and3A_149 : vector<256x256xi1>
      %or3A_151 = arith.ori %ne3A_147, %and3A_150 : vector<256x256xi1>
      %jit3A_152 = arith.constant 0x7F800000 : f32
      %broadcast_in_dim3A_153 = vector.broadcast %jit3A_152 : f32 to vector<256x256xf32>
      %select_n3A_154 = arith.select %or3A_151, %broadcast_in_dim3A_153, %add3A_139 : vector<256x256xi1>, vector<256x256xf32>
      %get3A_155 = arith.constant 0 : index
      %get3A_156 = arith.constant 0 : index
      %get3A_157 = vector.load %arg8[%get3A_155, %get3A_156] : memref<256x256xf32, #tpu.memory_space<vmem>>, vector<256x256xf32>
      %lt3A = arith.cmpf olt, %select_n3A_154, %get3A_157 : vector<256x256xf32>
      %get3A_158 = arith.constant 0 : index
      %get3A_159 = arith.constant 0 : index
      %get3A_160 = vector.load %arg8[%get3A_158, %get3A_159] : memref<256x256xf32, #tpu.memory_space<vmem>>, vector<256x256xf32>
      %select_n3A_161 = arith.select %lt3A, %select_n3A_154, %get3A_160 : vector<256x256xi1>, vector<256x256xf32>
      %swap3A_162 = arith.constant 0 : index
      %swap3A_163 = arith.constant 0 : index
      %swap3A_164 = vector.load %arg8[%swap3A_162, %swap3A_163] : memref<256x256xf32, #tpu.memory_space<vmem>>, vector<256x256xf32>
      tpu.vector_store %arg8[%swap3A_162, %swap3A_163], %select_n3A_161 {strides = array<i32>} : memref<256x256xf32, #tpu.memory_space<vmem>>, vector<256x256xf32>,
      %convert_element_type3A_165 = arith.sitofp %min3A_123 : i32 to f32
      %get3A_166 = arith.constant 0 : index
      %get3A_167 = arith.constant 0 : index
      %get3A_168 = vector.load %arg9[%get3A_166, %get3A_167] : memref<256x256xf32, #tpu.memory_space<vmem>>, vector<256x256xf32>
      %broadcast_in_dim3A_169 = vector.broadcast %convert_element_type3A_165 : f32 to vector<256x256xf32>
      %select_n3A_170 = arith.select %lt3A, %broadcast_in_dim3A_169, %get3A_168 : vector<256x256xi1>, vector<256x256xf32>
      %swap3A_171 = arith.constant 0 : index
      %swap3A_172 = arith.constant 0 : index
      %swap3A_173 = vector.load %arg9[%swap3A_171, %swap3A_172] : memref<256x256xf32, #tpu.memory_space<vmem>>, vector<256x256xf32>
      tpu.vector_store %arg9[%swap3A_171, %swap3A_172], %select_n3A_170 {strides = array<i32>} : memref<256x256xf32, #tpu.memory_space<vmem>>, vector<256x256xf32>,
      %add3A_174 = arith.constant 1 : i32
      %add3A_175 = arith.addi %add3A_122, %add3A_174 : i32
      %min3A_176 = arith.constant 31 : i32
      %min3A_177 = arith.minsi %add3A_175, %min3A_176 : i32
      %mul3A_178 = arith.constant 256 : i32
      %mul3A_179 = arith.muli %min3A_177, %mul3A_178 : i32
      %get3A_180 = arith.constant 0 : index
      %get3A_181 = arith.index_cast %mul3A_179 : i32 to index
      %get3A_182 = vector.load %arg4[%get3A_180, %get3A_181] : memref<128x8192xf32, #tpu.memory_space<vmem>>, vector<128x256xf32>
      %dot_general3A_183 = arith.constant dense<0.000000e+00> : vector<256x256xf32>
      %dot_general3A_184 = tpu.matmul %mul3A_5, %get3A_182, %dot_general3A_183 {dimension_numbers = #tpu.dot_dimension_numbers<[1], [0], [0], [1], [0, 0, 1, 1], [], []>, transpose_lhs_hint = false} : vector<256x128xf32>, vector<128x256xf32>, vector<256x256xf32> -> vector<256x256xf32>
      %mul3A_185 = arith.constant 256 : i32
      %mul3A_186 = arith.muli %min3A_177, %mul3A_185 : i32
      %get3A_187 = arith.constant 0 : index
      %get3A_188 = arith.index_cast %mul3A_186 : i32 to index
      %get3A_189 = vector.load %arg5[%get3A_187, %get3A_188] : memref<1x8192xf32, #tpu.memory_space<vmem>>, vector<1x256xf32>
      %add3A_190 = vector.broadcast %broadcast_in_dim3A : vector<256x1xf32> to vector<256x256xf32>
      %add3A_191 = vector.broadcast %get3A_189 : vector<1x256xf32> to vector<256x256xf32>
      %add3A_192 = arith.addf %add3A_190, %add3A_191 : vector<256x256xf32>
      %add3A_193 = arith.addf %add3A_192, %dot_general3A_184 : vector<256x256xf32>
      %mul3A_194 = arith.constant 256 : i32
      %mul3A_195 = arith.muli %min3A_177, %mul3A_194 : i32
      %get3A_196 = arith.constant 0 : index
      %get3A_197 = arith.index_cast %mul3A_195 : i32 to index
      %get3A_198 = vector.load %arg6[%get3A_196, %get3A_197] : memref<1x8192xi32, #tpu.memory_space<vmem>>, vector<1x256xi32>
      %ne3A_199 = vector.broadcast %get3A_8 : vector<256x1xi32> to vector<256x256xi32>
      %ne3A_200 = vector.broadcast %get3A_198 : vector<1x256xi32> to vector<256x256xi32>
      %ne3A_201 = arith.cmpi ne, %ne3A_199, %ne3A_200 : vector<256x256xi32>
      %eq3A_202 = arith.cmpi eq, %min3A_177, %arg0 : i32
      %and3A_203 = vector.broadcast %eq3A_202 : i1 to vector<256x256xi1>
      %and3A_204 = arith.andi %eq3A, %and3A_203 : vector<256x256xi1>
      %or3A_205 = arith.ori %ne3A_201, %and3A_204 : vector<256x256xi1>
      %jit3A_206 = arith.constant 0x7F800000 : f32
      %broadcast_in_dim3A_207 = vector.broadcast %jit3A_206 : f32 to vector<256x256xf32>
      %select_n3A_208 = arith.select %or3A_205, %broadcast_in_dim3A_207, %add3A_193 : vector<256x256xi1>, vector<256x256xf32>
      %get3A_209 = arith.constant 0 : index
      %get3A_210 = arith.constant 0 : index
      %get3A_211 = vector.load %arg8[%get3A_209, %get3A_210] : memref<256x256xf32, #tpu.memory_space<vmem>>, vector<256x256xf32>
      %lt3A_212 = arith.cmpf olt, %select_n3A_208, %get3A_211 : vector<256x256xf32>
      %get3A_213 = arith.constant 0 : index
      %get3A_214 = arith.constant 0 : index
      %get3A_215 = vector.load %arg8[%get3A_213, %get3A_214] : memref<256x256xf32, #tpu.memory_space<vmem>>, vector<256x256xf32>
      %select_n3A_216 = arith.select %lt3A_212, %select_n3A_208, %get3A_215 : vector<256x256xi1>, vector<256x256xf32>
      %swap3A_217 = arith.constant 0 : index
      %swap3A_218 = arith.constant 0 : index
      %swap3A_219 = vector.load %arg8[%swap3A_217, %swap3A_218] : memref<256x256xf32, #tpu.memory_space<vmem>>, vector<256x256xf32>
      tpu.vector_store %arg8[%swap3A_217, %swap3A_218], %select_n3A_216 {strides = array<i32>} : memref<256x256xf32, #tpu.memory_space<vmem>>, vector<256x256xf32>,
      %convert_element_type3A_220 = arith.sitofp %min3A_177 : i32 to f32
      %get3A_221 = arith.constant 0 : index
      %get3A_222 = arith.constant 0 : index
      %get3A_223 = vector.load %arg9[%get3A_221, %get3A_222] : memref<256x256xf32, #tpu.memory_space<vmem>>, vector<256x256xf32>
      %broadcast_in_dim3A_224 = vector.broadcast %convert_element_type3A_220 : f32 to vector<256x256xf32>
      %select_n3A_225 = arith.select %lt3A_212, %broadcast_in_dim3A_224, %get3A_223 : vector<256x256xi1>, vector<256x256xf32>
      %swap3A_226 = arith.constant 0 : index
      %swap3A_227 = arith.constant 0 : index
      %swap3A_228 = vector.load %arg9[%swap3A_226, %swap3A_227] : memref<256x256xf32, #tpu.memory_space<vmem>>, vector<256x256xf32>
      tpu.vector_store %arg9[%swap3A_226, %swap3A_227], %select_n3A_225 {strides = array<i32>} : memref<256x256xf32, #tpu.memory_space<vmem>>, vector<256x256xf32>,
      %while3A_229 = arith.constant 0 : i32
      scf.yield %while3A_229 : i32
    }
    %while3A_81 = arith.constant 1 : i32
    %while3A_82 = scf.for %while3A_116 = %while3A_78 to %while3A_74 step %while3A_81 iter_args(%while3A_117 = %while3A_80) -> (i32)  : i32 {
      %add3A_118 = arith.constant 1 : i32
      %add3A_119 = arith.addi %get3A_13, %add3A_118 : i32
      %mul3A_120 = arith.constant 2 : i32
      %mul3A_121 = arith.muli %mul3A_120, %while3A_116 : i32
      %add3A_122 = arith.addi %add3A_119, %mul3A_121 : i32
      %min3A = arith.constant 31 : i32
      %min3A_123 = arith.minsi %add3A_122, %min3A : i32
      %mul3A_124 = arith.constant 256 : i32
      %mul3A_125 = arith.muli %min3A_123, %mul3A_124 : i32
      %get3A_126 = arith.constant 0 : index
      %get3A_127 = arith.index_cast %mul3A_125 : i32 to index
      %get3A_128 = vector.load %arg4[%get3A_126, %get3A_127] : memref<128x8192xf32, #tpu.memory_space<vmem>>, vector<128x256xf32>
      %dot_general3A_129 = arith.constant dense<0.000000e+00> : vector<256x256xf32>
      %dot_general3A_130 = tpu.matmul %mul3A_5, %get3A_128, %dot_general3A_129 {dimension_numbers = #tpu.dot_dimension_numbers<[1], [0], [0], [1], [0, 0, 1, 1], [], []>, transpose_lhs_hint = false} : vector<256x128xf32>, vector<128x256xf32>, vector<256x256xf32> -> vector<256x256xf32>
      %mul3A_131 = arith.constant 256 : i32
      %mul3A_132 = arith.muli %min3A_123, %mul3A_131 : i32
      %get3A_133 = arith.constant 0 : index
      %get3A_134 = arith.index_cast %mul3A_132 : i32 to index
      %get3A_135 = vector.load %arg5[%get3A_133, %get3A_134] : memref<1x8192xf32, #tpu.memory_space<vmem>>, vector<1x256xf32>
      %add3A_136 = vector.broadcast %broadcast_in_dim3A : vector<256x1xf32> to vector<256x256xf32>
      %add3A_137 = vector.broadcast %get3A_135 : vector<1x256xf32> to vector<256x256xf32>
      %add3A_138 = arith.addf %add3A_136, %add3A_137 : vector<256x256xf32>
      %add3A_139 = arith.addf %add3A_138, %dot_general3A_130 : vector<256x256xf32>
      %mul3A_140 = arith.constant 256 : i32
      %mul3A_141 = arith.muli %min3A_123, %mul3A_140 : i32
      %get3A_142 = arith.constant 0 : index
      %get3A_143 = arith.index_cast %mul3A_141 : i32 to index
      %get3A_144 = vector.load %arg6[%get3A_142, %get3A_143] : memref<1x8192xi32, #tpu.memory_space<vmem>>, vector<1x256xi32>
      %ne3A_145 = vector.broadcast %get3A_8 : vector<256x1xi32> to vector<256x256xi32>
      %ne3A_146 = vector.broadcast %get3A_144 : vector<1x256xi32> to vector<256x256xi32>
      %ne3A_147 = arith.cmpi ne, %ne3A_145, %ne3A_146 : vector<256x256xi32>
      %eq3A_148 = arith.cmpi eq, %min3A_123, %arg0 : i32
      %and3A_149 = vector.broadcast %eq3A_148 : i1 to vector<256x256xi1>
      %and3A_150 = arith.andi %eq3A, %and3A_149 : vector<256x256xi1>
      %or3A_151 = arith.ori %ne3A_147, %and3A_150 : vector<256x256xi1>
      %jit3A_152 = arith.constant 0x7F800000 : f32
      %broadcast_in_dim3A_153 = vector.broadcast %jit3A_152 : f32 to vector<256x256xf32>
      %select_n3A_154 = arith.select %or3A_151, %broadcast_in_dim3A_153, %add3A_139 : vector<256x256xi1>, vector<256x256xf32>
      %get3A_155 = arith.constant 0 : index
      %get3A_156 = arith.constant 0 : index
      %get3A_157 = vector.load %arg8[%get3A_155, %get3A_156] : memref<256x256xf32, #tpu.memory_space<vmem>>, vector<256x256xf32>
      %lt3A = arith.cmpf olt, %select_n3A_154, %get3A_157 : vector<256x256xf32>
      %get3A_158 = arith.constant 0 : index
      %get3A_159 = arith.constant 0 : index
      %get3A_160 = vector.load %arg8[%get3A_158, %get3A_159] : memref<256x256xf32, #tpu.memory_space<vmem>>, vector<256x256xf32>
      %select_n3A_161 = arith.select %lt3A, %select_n3A_154, %get3A_160 : vector<256x256xi1>, vector<256x256xf32>
      %swap3A_162 = arith.constant 0 : index
      %swap3A_163 = arith.constant 0 : index
      %swap3A_164 = vector.load %arg8[%swap3A_162, %swap3A_163] : memref<256x256xf32, #tpu.memory_space<vmem>>, vector<256x256xf32>
      tpu.vector_store %arg8[%swap3A_162, %swap3A_163], %select_n3A_161 {strides = array<i32>} : memref<256x256xf32, #tpu.memory_space<vmem>>, vector<256x256xf32>,
      %convert_element_type3A_165 = arith.sitofp %min3A_123 : i32 to f32
      %get3A_166 = arith.constant 0 : index
      %get3A_167 = arith.constant 0 : index
      %get3A_168 = vector.load %arg9[%get3A_166, %get3A_167] : memref<256x256xf32, #tpu.memory_space<vmem>>, vector<256x256xf32>
      %broadcast_in_dim3A_169 = vector.broadcast %convert_element_type3A_165 : f32 to vector<256x256xf32>
      %select_n3A_170 = arith.select %lt3A, %broadcast_in_dim3A_169, %get3A_168 : vector<256x256xi1>, vector<256x256xf32>
      %swap3A_171 = arith.constant 0 : index
      %swap3A_172 = arith.constant 0 : index
      %swap3A_173 = vector.load %arg9[%swap3A_171, %swap3A_172] : memref<256x256xf32, #tpu.memory_space<vmem>>, vector<256x256xf32>
      tpu.vector_store %arg9[%swap3A_171, %swap3A_172], %select_n3A_170 {strides = array<i32>} : memref<256x256xf32, #tpu.memory_space<vmem>>, vector<256x256xf32>,
      %add3A_174 = arith.constant 1 : i32
      %add3A_175 = arith.addi %add3A_122, %add3A_174 : i32
      %min3A_176 = arith.constant 31 : i32
      %min3A_177 = arith.minsi %add3A_175, %min3A_176 : i32
      %mul3A_178 = arith.constant 256 : i32
      %mul3A_179 = arith.muli %min3A_177, %mul3A_178 : i32
      %get3A_180 = arith.constant 0 : index
      %get3A_181 = arith.index_cast %mul3A_179 : i32 to index
      %get3A_182 = vector.load %arg4[%get3A_180, %get3A_181] : memref<128x8192xf32, #tpu.memory_space<vmem>>, vector<128x256xf32>
      %dot_general3A_183 = arith.constant dense<0.000000e+00> : vector<256x256xf32>
      %dot_general3A_184 = tpu.matmul %mul3A_5, %get3A_182, %dot_general3A_183 {dimension_numbers = #tpu.dot_dimension_numbers<[1], [0], [0], [1], [0, 0, 1, 1], [], []>, transpose_lhs_hint = false} : vector<256x128xf32>, vector<128x256xf32>, vector<256x256xf32> -> vector<256x256xf32>
      %mul3A_185 = arith.constant 256 : i32
      %mul3A_186 = arith.muli %min3A_177, %mul3A_185 : i32
      %get3A_187 = arith.constant 0 : index
      %get3A_188 = arith.index_cast %mul3A_186 : i32 to index
      %get3A_189 = vector.load %arg5[%get3A_187, %get3A_188] : memref<1x8192xf32, #tpu.memory_space<vmem>>, vector<1x256xf32>
      %add3A_190 = vector.broadcast %broadcast_in_dim3A : vector<256x1xf32> to vector<256x256xf32>
      %add3A_191 = vector.broadcast %get3A_189 : vector<1x256xf32> to vector<256x256xf32>
      %add3A_192 = arith.addf %add3A_190, %add3A_191 : vector<256x256xf32>
      %add3A_193 = arith.addf %add3A_192, %dot_general3A_184 : vector<256x256xf32>
      %mul3A_194 = arith.constant 256 : i32
      %mul3A_195 = arith.muli %min3A_177, %mul3A_194 : i32
      %get3A_196 = arith.constant 0 : index
      %get3A_197 = arith.index_cast %mul3A_195 : i32 to index
      %get3A_198 = vector.load %arg6[%get3A_196, %get3A_197] : memref<1x8192xi32, #tpu.memory_space<vmem>>, vector<1x256xi32>
      %ne3A_199 = vector.broadcast %get3A_8 : vector<256x1xi32> to vector<256x256xi32>
      %ne3A_200 = vector.broadcast %get3A_198 : vector<1x256xi32> to vector<256x256xi32>
      %ne3A_201 = arith.cmpi ne, %ne3A_199, %ne3A_200 : vector<256x256xi32>
      %eq3A_202 = arith.cmpi eq, %min3A_177, %arg0 : i32
      %and3A_203 = vector.broadcast %eq3A_202 : i1 to vector<256x256xi1>
      %and3A_204 = arith.andi %eq3A, %and3A_203 : vector<256x256xi1>
      %or3A_205 = arith.ori %ne3A_201, %and3A_204 : vector<256x256xi1>
      %jit3A_206 = arith.constant 0x7F800000 : f32
      %broadcast_in_dim3A_207 = vector.broadcast %jit3A_206 : f32 to vector<256x256xf32>
      %select_n3A_208 = arith.select %or3A_205, %broadcast_in_dim3A_207, %add3A_193 : vector<256x256xi1>, vector<256x256xf32>
      %get3A_209 = arith.constant 0 : index
      %get3A_210 = arith.constant 0 : index
      %get3A_211 = vector.load %arg8[%get3A_209, %get3A_210] : memref<256x256xf32, #tpu.memory_space<vmem>>, vector<256x256xf32>
      %lt3A_212 = arith.cmpf olt, %select_n3A_208, %get3A_211 : vector<256x256xf32>
      %get3A_213 = arith.constant 0 : index
      %get3A_214 = arith.constant 0 : index
      %get3A_215 = vector.load %arg8[%get3A_213, %get3A_214] : memref<256x256xf32, #tpu.memory_space<vmem>>, vector<256x256xf32>
      %select_n3A_216 = arith.select %lt3A_212, %select_n3A_208, %get3A_215 : vector<256x256xi1>, vector<256x256xf32>
      %swap3A_217 = arith.constant 0 : index
      %swap3A_218 = arith.constant 0 : index
      %swap3A_219 = vector.load %arg8[%swap3A_217, %swap3A_218] : memref<256x256xf32, #tpu.memory_space<vmem>>, vector<256x256xf32>
      tpu.vector_store %arg8[%swap3A_217, %swap3A_218], %select_n3A_216 {strides = array<i32>} : memref<256x256xf32, #tpu.memory_space<vmem>>, vector<256x256xf32>,
      %convert_element_type3A_220 = arith.sitofp %min3A_177 : i32 to f32
      %get3A_221 = arith.constant 0 : index
      %get3A_222 = arith.constant 0 : index
      %get3A_223 = vector.load %arg9[%get3A_221, %get3A_222] : memref<256x256xf32, #tpu.memory_space<vmem>>, vector<256x256xf32>
      %broadcast_in_dim3A_224 = vector.broadcast %convert_element_type3A_220 : f32 to vector<256x256xf32>
      %select_n3A_225 = arith.select %lt3A_212, %broadcast_in_dim3A_224, %get3A_223 : vector<256x256xi1>, vector<256x256xf32>
      %swap3A_226 = arith.constant 0 : index
      %swap3A_227 = arith.constant 0 : index
      %swap3A_228 = vector.load %arg9[%swap3A_226, %swap3A_227] : memref<256x256xf32, #tpu.memory_space<vmem>>, vector<256x256xf32>
      tpu.vector_store %arg9[%swap3A_226, %swap3A_227], %select_n3A_225 {strides = array<i32>} : memref<256x256xf32, #tpu.memory_space<vmem>>, vector<256x256xf32>,
      %while3A_229 = arith.constant 0 : i32
      scf.yield %while3A_229 : i32
    }
    %get3A_83 = arith.constant 0 : index
    %get3A_84 = arith.constant 0 : index
    %get3A_85 = vector.load %arg8[%get3A_83, %get3A_84] : memref<256x256xf32, #tpu.memory_space<vmem>>, vector<256x256xf32>
    %reduce_min3A = arith.constant dense<0x7F800000> : vector<256xf32>
    %reduce_min3A_86 = vector.multi_reduction <minimumf>, %get3A_85, %reduce_min3A [1] : vector<256x256xf32> to vector<256xf32>
    %broadcast_in_dim3A_87 = vector.shape_cast %reduce_min3A_86 : vector<256xf32> to vector<256x1xf32>
    %get3A_88 = arith.constant 0 : index
    %get3A_89 = arith.constant 0 : index
    %get3A_90 = vector.load %arg9[%get3A_88, %get3A_89] : memref<256x256xf32, #tpu.memory_space<vmem>>, vector<256x256xf32>
    %mul3A_91 = arith.constant 2.560000e+02 : f32
    %mul3A_92 = vector.broadcast %mul3A_91 : f32 to vector<256x256xf32>
    %mul3A_93 = arith.mulf %get3A_90, %mul3A_92 : vector<256x256xf32>
    %add3A_94 = arith.addf %mul3A_93, %convert_element_type3A : vector<256x256xf32>
    %eq3A_95 = vector.broadcast %broadcast_in_dim3A_87 : vector<256x1xf32> to vector<256x256xf32>
    %eq3A_96 = arith.cmpf oeq, %get3A_85, %eq3A_95 : vector<256x256xf32>
    %jit3A_97 = arith.constant 1.000000e+09 : f32
    %broadcast_in_dim3A_98 = vector.broadcast %jit3A_97 : f32 to vector<256x256xf32>
    %select_n3A_99 = arith.select %eq3A_96, %add3A_94, %broadcast_in_dim3A_98 : vector<256x256xi1>, vector<256x256xf32>
    %reduce_min3A_100 = arith.constant dense<0x7F800000> : vector<256xf32>
    %reduce_min3A_101 = vector.multi_reduction <minimumf>, %select_n3A_99, %reduce_min3A_100 [1] : vector<256x256xf32> to vector<256xf32>
    %broadcast_in_dim3A_102 = vector.shape_cast %reduce_min3A_101 : vector<256xf32> to vector<256x1xf32>
    %mul3A_103 = arith.constant 256 : i32
    %mul3A_104 = arith.muli %arg0, %mul3A_103 : i32
    %iota3A_105 = tpu.iota {dimensions = array<i32: 0>} : vector<256x1xi32>
    %add3A_106 = vector.broadcast %mul3A_104 : i32 to vector<256x1xi32>
    %add3A_107 = arith.addi %add3A_106, %iota3A_105 : vector<256x1xi32>
    %convert_element_type3A_108 = arith.sitofp %add3A_107 : vector<256x1xi32> to vector<256x1xf32>
    %is_finite3A = tpu.weird %broadcast_in_dim3A_87 : vector<256x1xf32> -> vector<256x1xi1>
    %is_finite3A_109 = arith.constant dense<true> : vector<256x1xi1>
    %is_finite3A_110 = arith.xori %is_finite3A, %is_finite3A_109 : vector<256x1xi1>
    %select_n3A_111 = arith.select %is_finite3A_110, %broadcast_in_dim3A_102, %convert_element_type3A_108 : vector<256x1xi1>, vector<256x1xf32>
    %convert_element_type3A_112 = arith.fptosi %select_n3A_111 : vector<256x1xf32> to vector<256x1xi32>
    %swap3A_113 = arith.constant 0 : index
    %swap3A_114 = arith.constant 0 : index
    %swap3A_115 = vector.load %arg7[%swap3A_113, %swap3A_114] : memref<256x1xi32, #tpu.memory_space<vmem>>, vector<256x1xi32>
    tpu.vector_store %arg7[%swap3A_113, %swap3A_114], %convert_element_type3A_112 {strides = array<i32>} : memref<256x1xi32, #tpu.memory_space<vmem>>, vector<256x1xi32>,
    return
  }
  func.func @transform_0(%arg0: i32) -> (i32, i32) {
    %c0_i32 = arith.constant 0 : i32
    %c0_i32_0 = arith.constant 0 : i32
    %c0_i32_1 = arith.constant 0 : i32
    return %c0_i32, %c0_i32_0 : i32, i32
  }
  func.func @transform_1(%arg0: i32) -> (i32, i32) {
    %c0_i32 = arith.constant 0 : i32
    %c0_i32_0 = arith.constant 0 : i32
    return %arg0, %c0_i32 : i32, i32
  }
  func.func @transform_2(%arg0: i32) -> (i32, i32) {
    %c0_i32 = arith.constant 0 : i32
    %c0_i32_0 = arith.constant 0 : i32
    return %arg0, %c0_i32 : i32, i32
  }
  func.func @transform_3(%arg0: i32) -> (i32, i32) {
    %c0_i32 = arith.constant 0 : i32
    %c0_i32_0 = arith.constant 0 : i32
    %c0_i32_1 = arith.constant 0 : i32
    return %c0_i32, %c0_i32_0 : i32, i32
  }
  func.func @transform_4(%arg0: i32) -> (i32, i32) {
    %c0_i32 = arith.constant 0 : i32
    %c0_i32_0 = arith.constant 0 : i32
    %c0_i32_1 = arith.constant 0 : i32
    return %c0_i32, %c0_i32_0 : i32, i32
  }
  func.func @transform_5(%arg0: i32) -> (i32, i32) {
    %c0_i32 = arith.constant 0 : i32
    %c0_i32_0 = arith.constant 0 : i32
    %c0_i32_1 = arith.constant 0 : i32
    return %c0_i32, %c0_i32_0 : i32, i32
  }
  func.func @transform_6(%arg0: i32) -> (i32, i32) {
    %c0_i32 = arith.constant 0 : i32
    %c0_i32_0 = arith.constant 0 : i32
    return %arg0, %c0_i32 : i32, i32
  }
}

</mosaic_0001>

<sc_bundles>
// kernel: kernel.5.cloned.1.call-start
scs
__scs_entry_jumppad:
0x0: {  	(pc) =	sbr.rel $0x88, $3  }
0x1: {  	(tag) =	ssettag $0x0;
	lr =	simm.s32 $0x1  }
0x2: {  	[smem:$0x3F9F] =	sst lr;
	_ =	strace $0xD0000000  }
0x3: {  	_ = 	snop  }
0x4: {  	_ = 	snop  }
0x5: {  	_ = 	snop  }
0x6: {  	_ = 	snop  }
0x7: {  	_ = 	snop  }
__scs_overlays_trampoline_lowered:
0x8: {  	[smem:$0x3FAE] =	sst s0  }
0x9: {  	[smem:$0x3FAF] =	sst s1  }
0xa: {  	[smem:$0x3FB0] =	sst s2  }
0xb: {  	[smem:$0x3FB1] =	sst s3  }
0xc: {  	[smem:$0x3FB2] =	sst s4  }
0xd: {  	[smem:$0x3FB3] =	sst s5  }
0xe: {  	[smem:$0x3FB4] =	sst s6  }
0xf: {  	[smem:$0x3FB5] =	sst s7  }
0x10: {  	[smem:$0x3FB6] =	sst s8  }
0x11: {  	[smem:$0x3FB7] =	sst s9;
	s0 =	simm.s32 @!p0 $0x0  }
0x12: {  	s1 =	sld [smem:$0x3F9D];
	s0 =	simm.s32 @p0 $0x1  }
0x13: {  	[smem:$0x3FB8] =	sst s0;
	s0 =	simm.s32 @!p1 $0x0  }
0x14: {  	s2 =	sld [smem:$0x3F9C];
	s0 =	simm.s32 @p1 $0x1  }
0x15: {  	[smem:$0x3FB9] =	sst s0;
	s0 =	simm.s32 @!p2 $0x0  }
0x16: {  	s3 =	sld [smem:$0x3FDB];
	s0 =	simm.s32 @p2 $0x1  }
0x17: {  	s4 =	simm.s32 $0x1BF5;
	[smem:$0x3FBB] =	sst s0  }
0x18: {  	s0 =	sld [smem:$0x3F9E];
	_ =	swait.ge [sflag:s4], $0x0  }
0x19: {  	s7 =	sld [smem:$0x3F9F]  }
0x1a: {  	s8 =	sadd.s32 $0xFFFFE003, lr  }
0x1b: {  	s9 =	sadd.s32 $0xFFFFFEF7, lr;
	s5 =	simm.s32 $0xFFFFFFFF;
	p2 =	slt.u32 s8, $0xFFFFF086  }
0x1c: {  	p1 =	slt.u32 s9, $0xF7A;
	s5 =	simm.s32 @!p2 $0x0  }
0x1d: {  	s5 =	simm.s32 @p1 $0x1;
	p0 =	seq.s32 s7, s2  }
0x1e: {  	s7 =	smul.u32 @!p0 $0xF7A, s2;
	p2 =	seq.s32 @!p0 s5, $0x0  }
0x1f: {  	s9 =	smul.u32 $0xF7A, s1;
	s8 =	simm.s32 @!p0 $0x1BF5;
	p2 =	por !p2, p0  }
0x20: {  	[sflag:s8] =	ssyncset.s32 @!p0 $0xFFFFF086;
	s6 =	sadd.s32 @!p0 s3, s7;
	s7 =	simm.s32 @!p0 $0x108  }
0x21: {  	s3 =	sadd.s32 s3, s9;
	s6 =	sadd.s32 @!p0 $0x88, s6;
	s7 =	simm.s32 @p2 $0x1082  }
0x22: {  	[simem:s7], [sflag:s8] =	dma.local @!p0 [hbm:s6], $0xF7A  }
0x23: {  	s9 =	sor.u32 $0xD0000000, s2;
	s6 =	simm.s32 $0x108;
	_ =	swait.ge @!p0 [sflag:s8], $0x0  }
0x24: {  	s3 =	sadd.s32 $0x88, s3;
	s6 =	simm.s32 @!p1 $0x1082;
	[sflag:s4] =	ssyncset.s32 $0xFFFFF086  }
0x25: {  	[simem:s6], [sflag:s4] =	dma.local [hbm:s3], $0xF7A  }
0x26: {  	[smem:$0x3F9F] =	sst s1;
	(tag) =	ssettag s2;
	_ =	strace s9  }
0x27: {  	s1 =	sld [smem:$0x3FAF]  }
0x28: {  	s2 =	sld [smem:$0x3FB0]  }
0x29: {  	s4 =	sld [smem:$0x3FB2]  }
0x2a: {  	p0 =	seq.s32 s5, $0x0;
	s5 =	sld [smem:$0x3FB3]  }
0x2b: {  	s6 =	sld [smem:$0x3FB4]  }
0x2c: {  	s7 =	sld [smem:$0x3FB5]  }
0x2d: {  	s3 =	simm.s32 $0x108;
	s8 =	sld [smem:$0x3FB6]  }
0x2e: {  	s3 =	simm.s32 @!p0 $0x1082;
	s9 =	sld [smem:$0x3FB7]  }
0x2f: {  	lr =	sadd.s32 s0, s3;
	s0 =	sld [smem:$0x3FAE]  }
0x30: {  	s3 =	sld [smem:$0x3FB1]  }
0x31: {  	[smem:$0x3FBA] =	sst s10  }
0x32: {  	s10 =	sld [smem:$0x3FB8];
	_ =	sdelay $0x3  }
0x33: {  	p0 =	seq.s32 s10, $0x1;
	s10 =	sld [smem:$0x3FBA];
	_ =	sdelay $0x3  }
0x34: {  	[smem:$0x3FBA] =	sst s10  }
0x35: {  	s10 =	sld [smem:$0x3FB9];
	_ =	sdelay $0x3  }
0x36: {  	p1 =	seq.s32 s10, $0x1;
	s10 =	sld [smem:$0x3FBA];
	_ =	sdelay $0x3  }
0x37: {  	[smem:$0x3FBA] =	sst s10  }
0x38: {  	s10 =	sld [smem:$0x3FBB]  }
0x39: {  	_ = 	snop;
	(pc) =	sbr.ind lr, $3  }
0x3a: {  	_ = 	snop  }
0x3b: {  	_ = 	snop  }
0x3c: {  	p2 =	seq.s32 s10, $0x1;
	s10 =	sld [smem:$0x3FBA]  }
0x3d: {  	_ =	shalt  }
0x3e: {  	_ =	shalt  }
0x3f: {  	_ =	shalt  }
0x40: {  	_ =	shalt  }
0x41: {  	_ =	shalt  }
0x42: {  	_ =	shalt  }
0x43: {  	_ =	shalt  }
0x44: {  	_ =	shalt  }
0x45: {  	_ =	shalt  }
0x46: {  	_ =	shalt  }
0x47: {  	_ =	shalt  }
0x48: {  	_ =	shalt  }
0x49: {  	_ =	shalt  }
0x4a: {  	_ =	shalt  }
0x4b: {  	_ =	shalt  }
0x4c: {  	_ =	shalt  }
0x4d: {  	_ =	shalt  }
0x4e: {  	_ =	shalt  }
0x4f: {  	_ =	shalt  }
0x50: {  	_ =	shalt  }
0x51: {  	_ =	shalt  }
0x52: {  	_ =	shalt  }
0x53: {  	_ =	shalt  }
0x54: {  	_ =	shalt  }
0x55: {  	_ =	shalt  }
0x56: {  	_ =	shalt  }
0x57: {  	_ =	shalt  }
0x58: {  	_ =	shalt  }
0x59: {  	_ =	shalt  }
0x5a: {  	_ =	shalt  }
0x5b: {  	_ =	shalt  }
0x5c: {  	_ =	shalt  }
0x5d: {  	_ =	shalt  }
0x5e: {  	_ =	shalt  }
0x5f: {  	_ =	shalt  }
0x60: {  	_ =	shalt  }
0x61: {  	_ =	shalt  }
0x62: {  	_ =	shalt  }
0x63: {  	_ =	shalt  }
0x64: {  	_ =	shalt  }
0x65: {  	_ =	shalt  }
0x66: {  	_ =	shalt  }
0x67: {  	_ =	shalt  }
0x68: {  	_ =	shalt  }
0x69: {  	_ =	shalt  }
0x6a: {  	_ =	shalt  }
0x6b: {  	_ =	shalt  }
0x6c: {  	_ =	shalt  }
0x6d: {  	_ =	shalt  }
0x6e: {  	_ =	shalt  }
0x6f: {  	_ =	shalt  }
0x70: {  	_ =	shalt  }
0x71: {  	_ =	shalt  }
0x72: {  	_ =	shalt  }
0x73: {  	_ =	shalt  }
0x74: {  	_ =	shalt  }
0x75: {  	_ =	shalt  }
0x76: {  	_ =	shalt  }
0x77: {  	_ =	shalt  }
0x78: {  	_ =	shalt  }
0x79: {  	_ =	shalt  }
0x7a: {  	_ =	shalt  }
0x7b: {  	_ =	shalt  }
0x7c: {  	_ =	shalt  }
0x7d: {  	_ =	shalt  }
0x7e: {  	_ =	shalt  }
0x7f: {  	_ =	shalt  }
0x80: {  	_ =	shalt  }
0x81: {  	_ =	shalt  }
0x82: {  	_ =	shalt  }
0x83: {  	_ =	shalt  }
0x84: {  	_ =	shalt  }
0x85: {  	_ =	shalt  }
0x86: {  	_ =	shalt  }
0x87: {  	_ =	shalt  }
.Lfunc_end0:
.L_simem_size_0:
called_computation_lowered:
.L_overlay_start_0:
0x88: {  	s2 =	sld [smem:$0x3FD9]  }
0x89: {  	s3 =	sld [smem:$0x3FFE];
	_ =	sdelay $0x1  }
0x8a: {  	s1 =	srdreg.scid  }
0x8b: {  	s0 =	sand.u32 $0x1, s1  }
0x8c: {  	s17 =	sshll.u32 s0, $0xA;
	s2 =	sadd.s32 s3, s2  }
0x8d: {  	s2 =	sadd.s32 s2, s17  }
0x8e: {  	[smem:$0x3FC6] =	sst s2  }
0x8f: {  	_ = 	snop  }
0x90: {  	s2 =	sld [smem:$0x3FC9]  }
0x91: {  	s18 =	sld [smem:$0x3FD0];
	(tm) =	ssettm $0x1  }
0x92: {  	s4 =	sld [smem:$0x3FFB];
	_ =	sdelay $0x3  }
0x93: {  	_ =	strace s4  }
0x94: {  	s4 =	sld [smem:$0x3FFC];
	_ =	sdelay $0x3  }
0x95: {  	_ =	strace s4  }
0x96: {  	s4 =	sld [smem:$0x3FFD];
	_ =	sdelay $0x3  }
0x97: {  	_ =	strace s4  }
0x98: {  	_ =	strace $0x8FFFFFFF  }
0x99: {  	s19 =	sld [smem:$0x3FDB];
	_ =	sdelay $0x1  }
0x9a: {  	s5 =	simm.s32 $_scs_section_size  }
0x9b: {  	s6 =	simm.s32 $_size__tile_overlayer_lowered;
	s7 =	simm.s32 $_tile_overlayer_lowered  }
0x9c: {  	s22 =	simm.s32 $0x1BFF;
	s21 =	sshll.u32 s7, $0x1;
	s4 =	sadd.s32 s5, s19  }
0x9d: {  	s8 =	simm.s32 $0x0;
	s20 =	sshll.u32 s6, $0x1;
	s6 =	sadd.s32 s21, s4  }
0x9e: {  	[timem:s8], [sflag:s22] =	dma.local [hbm:s6], s20  }
0x9f: {  	_ =	swait.ge [sflag:s22], s20  }
0xa0: {  	s5 =	ssub.s32 $0x0, s20;
	[sflag:s22] =	ssyncset.done $0x0  }
0xa1: {  	[sflag:s22] =	ssyncadd.s32 s5;
	_ =	sdelay $0x1  }
0xa2: {  	s23 =	simm.s32 $0x1B8B  }
0xa3: {  	_ =	swait.ge [sflag:s23], $0x1  }
0xa4: {  	[sflag:s23] =	ssyncset.done $0x0  }
0xa5: {  	s25 =	simm.s32 $0x1B8E;
	s24 =	sld [smem:$0x3FFE];
	[sflag:s23] =	ssyncadd.s32 $0xFFFFFFFF  }
0xa6: {  	s26 =	simm.s32 $execute0_lowered;
	[smem:$0x3FD2] =	sst s25  }
0xa7: {  	s6 =	sshll.u32 s26, $0x1;
	_ =	strace $0x80000046;
	[dreg:$0x1] =	wrdreg $0xFFFFFFFF  }
0xa8: {  	s28 =	simm.s32 $_size_execute0_lowered;
	s4 =	sadd.s32 s4, s6;
	[dreg:$0x0] =	wrdreg $0x0  }
0xa9: {  	s6 =	sshll.u32 s28, $0x1;
	[dreg:$0x2] =	wrdreg s4  }
0xaa: {  	[dreg:$0x3] =	wrdreg s6  }
0xab: {  	[dreg:$0x4] =	wrdreg $0xC0  }
0xac: {  	_ =	task [dreg:s8], $0x5FFFF  }
0xad: {  	[dreg:$0x1] =	wrdreg $0xFFFFFFFF  }
0xae: {  	[dreg:$0x0] =	wrdreg $0x60  }
0xaf: {  	[dreg:$0x2] =	wrdreg s2  }
0xb0: {  	[dreg:$0x3] =	wrdreg s24  }
0xb1: {  	[dreg:$0x4] =	wrdreg s18  }
0xb2: {  	[dreg:$0x5] =	wrdreg $0x9  }
0xb3: {  	_ =	task.clear_ibuf [dreg:s8], $0x6FFFF;
	_ =	strace $0x90000046  }
0xb4: {  	s29 =	simm.s32 $0x9;
	_ =	strace $0x80000048  }
0xb5: {  	_ =	swait.ge [sflag:s29], $0x1  }
0xb6: {  	[sflag:s29] =	ssyncadd.s32 $0xFFFFFFFF  }
0xb7: {  	_ =	strace $0x90000048  }
0xb8: {  	_ =	sfence  }
0xb9: {  	s30 =	sld [smem:$0x0];
	_ =	sdelay $0x2  }
0xba: {  	s31 =	sshll.u32 s1, $0xD;
	s1 =	sshrl.u32 s1, $0x2  }
0xbb: {  	s3 =	sand.u32 $0x4000, s31;
	s1 =	sadd.s32 s1, s30  }
0xbc: {  	s0 =	sor.u32 s3, s0;
	s1 =	sshll.u32 s1, $0x11  }
0xbd: {  	s0 =	sor.u32 s1, s0  }
0xbe: {  	s0 =	sadd.s32 $0x8F2B, s0  }
0xbf: {  	[sflag:s0] =	ssyncadd.remote.s32 $0x1  }
0xc0: {  	_ =	sfence.sel $0xFFFF  }
0xc1: {  	[dreg:$0x0] =	wrdreg $0xFFFFFFFF;
	(pc) =	sbr.abs _section_cstart, $3  }
0xc2: {  	[dreg:$0x1] =	wrdreg $0xFFFFFFFF  }
0xc3: {  	_ =	task.clear_ibuf [dreg:s8], $0x2FFFF;
	_ =	strace $0x9FFFFFFF  }
0xc4: {  	(tm) =	ssettm $0x7FFFFFFF  }
0xc5: {  	_ =	shalt  }
tec
execute0_lowered:
.L_overlay_start_1:
0x0: {  	(tag) =	ssettag $0x1  }
0x1: {  	s1 =	rddreg [dreg:$0x0]  }
0x2: {  	s4 =	rddreg [dreg:$0x1]  }
0x3: {  	s6 =	rddreg [dreg:$0x2]  }
0x4: {  	s0 =	rddreg [dreg:$0x3]  }
0x5: {  	s3 =	simm.s32 $0x0;
	s5 =	srdreg.scid;
	s2 =	stileid.u32  }
0x6: {  	s11 =	simm.s32 $0x8100;
	s12 =	simm.s32 $0xC100;
	s13 =	simm.s32 $0x1  }
0x7: {  	s14 =	simm.s32 $0x0;
	s5 =	sand.u32 $0x1, s5;
	s7 =	sshll.u32 s2, $0x1  }
0x8: {  	[smem:$0x7FF] =	sst s3;
	s8 =	ssub.s32 $0x2, s5;
	s5 =	sor.u32 s5, s7  }
0x9: {  	_ =	strace $0x80000047;
	s31 =	sshrl.u32 s8, $0x1;
	s9 =	sshll.u32 s5, $0x5  }
0xa: {  	s10 =	sshll.u32 s5, $0xC;
	s7 =	ssub.s32 s8, s31;
	s4 =	sadd.s32 s4, s9  }
0xb: {  	s5 =	sadd.s32 s1, s10;
	s6 =	sadd.s32 s6, s10;
	s8 =	simm.s32 $0x2  }
0xc: {  	s9 =	simm.s32 $0x100;
	s10 =	simm.s32 $0x80;
	s7 =	smax.u32 s7, $0x1  }
.LBB2_1:
0xd: {  	[tilespmem:s3], [sflag:$0x2] =	stream.linear.gather [hbm4b:s4+s3], $0x100, $0x38;
	[tilespmem:$0x10100] =	vst v63  }
0xe: {  	_ =	swait.ge [sflag:s8], $0x100  }
0xf: {  	[sflag:s8] =	ssyncset.done $0x0  }
0x10: {  	[sflag:s8] =	ssyncadd.s32 $0xFFFFFF00  }
0x11: {  	[tilespmem:s9], [sflag:$0x2] =	stream.linear.gather [hbm4b:s5+s3], $0x8000, $0x38;
	[tilespmem:$0x10100] =	vst v63  }
0x12: {  	_ =	swait.ge [sflag:s8], $0x8000  }
0x13: {  	[sflag:s8] =	ssyncset.done $0x0  }
0x14: {  	[sflag:s8] =	ssyncadd.s32 $0xFFFF8000  }
0x15: {  	[tilespmem:s11], [sflag:$0x1] =	stream.indirect.gather [hbm4b:s1+s10], $0x80, s3, s10, $0xb8;
	[tilespmem:$0x10100] =	vst v63  }
0x16: {  	_ = 	snop  }
0x17: {  	[tilespmem:s12], [sflag:$0x1] =	stream.indirect.gather [hbm4b:s1+s10], $0x80, s10, s10, $0xb8;
	[tilespmem:$0x10100] =	vst v63  }
0x18: {  	_ =	swait.ge [sflag:s13], $0x4000  }
0x19: {  	[sflag:s13] =	ssyncset.done $0x0  }
0x1a: {  	[sflag:s13] =	ssyncadd.s32 $0xFFFFC000  }
0x1b: {  	_ =	swait.ge [sflag:s13], $0x4000  }
0x1c: {  	[sflag:s13] =	ssyncset.done $0x0  }
0x1d: {  	s15 =	simm.s32 $0x0;
	[sflag:s13] =	ssyncadd.s32 $0xFFFFC000  }
0x1e: {  	v6 =	vld [tilespmem:s15+$0x8100]  }
0x1f: {  	v7 =	vld [tilespmem:s15+$0x8110]  }
0x20: {  	v8 =	vld [tilespmem:s15+$0x8120]  }
0x21: {  	v9 =	vld [tilespmem:s15+$0x8130]  }
0x22: {  	v10 =	vld [tilespmem:s15+$0x8140]  }
0x23: {  	v11 =	vld [tilespmem:s15+$0x8150]  }
0x24: {  	v12 =	vld [tilespmem:s15+$0x8160]  }
0x25: {  	v13 =	vld [tilespmem:s15+$0x8170]  }
0x26: {  	v14 =	vld [tilespmem:s15+$0x8180]  }
0x27: {  	v15 =	vld [tilespmem:s15+$0x8190]  }
0x28: {  	v16 =	vld [tilespmem:s15+$0x81A0]  }
0x29: {  	v17 =	vld [tilespmem:s15+$0x81B0]  }
0x2a: {  	v18 =	vld [tilespmem:s15+$0x81C0]  }
0x2b: {  	v19 =	vld [tilespmem:s15+$0x81D0]  }
0x2c: {  	v20 =	vld [tilespmem:s15+$0x81E0]  }
0x2d: {  	v21 =	vld [tilespmem:s15+$0x81F0]  }
0x2e: {  	v22 =	vld [tilespmem:s15+$0x8200]  }
0x2f: {  	v23 =	vld [tilespmem:s15+$0x8210]  }
0x30: {  	v24 =	vld [tilespmem:s15+$0x8220]  }
0x31: {  	v25 =	vld [tilespmem:s15+$0x8230]  }
0x32: {  	v26 =	vld [tilespmem:s15+$0x8240]  }
0x33: {  	v27 =	vld [tilespmem:s15+$0x8250]  }
0x34: {  	v28 =	vld [tilespmem:s15+$0x8260]  }
0x35: {  	v29 =	vld [tilespmem:s15+$0x8270]  }
0x36: {  	v30 =	vld [tilespmem:s15+$0x8280]  }
0x37: {  	v31 =	vld [tilespmem:s15+$0x8290]  }
0x38: {  	v5 =	vld [tilespmem:s15+$0x82A0]  }
0x39: {  	v4 =	vld [tilespmem:s15+$0x82B0]  }
0x3a: {  	v3 =	vld [tilespmem:s15+$0x82C0]  }
0x3b: {  	v2 =	vld [tilespmem:s15+$0x82D0]  }
0x3c: {  	v1 =	vld [tilespmem:s15+$0x82E0]  }
0x3d: {  	v32 =	vld [tilespmem:s15+$0x100]  }
0x3e: {  	v33 =	vld [tilespmem:s15+$0x110]  }
0x3f: {  	v34 =	vld [tilespmem:s15+$0x120]  }
0x40: {  	v35 =	vld [tilespmem:s15+$0x130]  }
0x41: {  	v36 =	vld [tilespmem:s15+$0x140]  }
0x42: {  	v63 =	vld [tilespmem:s15+$0x150];
	v6 =	vsub.f32 v32, v6  }
0x43: {  	v37 =	vld [tilespmem:s15+$0x160];
	v7 =	vsub.f32 v33, v7  }
0x44: {  	v8 =	vsub.f32 v34, v8;
	[tilespmem:s15+$0x100] =	vst v6;
	v6 =	vld [tilespmem:s15+$0x170]  }
0x45: {  	v9 =	vsub.f32 v35, v9;
	[tilespmem:s15+$0x110] =	vst v7;
	v7 =	vld [tilespmem:s15+$0x180]  }
0x46: {  	v10 =	vsub.f32 v36, v10;
	[tilespmem:s15+$0x120] =	vst v8;
	v8 =	vld [tilespmem:s15+$0x190]  }
0x47: {  	v11 =	vsub.f32 v63, v11;
	[tilespmem:s15+$0x130] =	vst v9;
	v9 =	vld [tilespmem:s15+$0x1A0]  }
0x48: {  	v12 =	vsub.f32 v37, v12;
	[tilespmem:s15+$0x140] =	vst v10;
	v10 =	vld [tilespmem:s15+$0x1B0]  }
0x49: {  	[tilespmem:s15+$0x150] =	vst v11;
	v11 =	vld [tilespmem:s15+$0x1C0];
	v6 =	vsub.f32 v6, v13  }
0x4a: {  	[tilespmem:s15+$0x160] =	vst v12;
	v12 =	vld [tilespmem:s15+$0x1D0];
	v7 =	vsub.f32 v7, v14  }
0x4b: {  	v8 =	vsub.f32 v8, v15;
	[tilespmem:s15+$0x170] =	vst v6;
	v6 =	vld [tilespmem:s15+$0x1E0]  }
0x4c: {  	v9 =	vsub.f32 v9, v16;
	[tilespmem:s15+$0x180] =	vst v7;
	v7 =	vld [tilespmem:s15+$0x1F0]  }
0x4d: {  	v10 =	vsub.f32 v10, v17;
	[tilespmem:s15+$0x190] =	vst v8;
	v8 =	vld [tilespmem:s15+$0x200]  }
0x4e: {  	v11 =	vsub.f32 v11, v18;
	[tilespmem:s15+$0x1A0] =	vst v9;
	v9 =	vld [tilespmem:s15+$0x210]  }
0x4f: {  	v12 =	vsub.f32 v12, v19;
	[tilespmem:s15+$0x1B0] =	vst v10;
	v10 =	vld [tilespmem:s15+$0x220]  }
0x50: {  	[tilespmem:s15+$0x1C0] =	vst v11;
	v11 =	vld [tilespmem:s15+$0x230];
	v6 =	vsub.f32 v6, v20  }
0x51: {  	[tilespmem:s15+$0x1D0] =	vst v12;
	v12 =	vld [tilespmem:s15+$0x240]  }
0x52: {  	v7 =	vsub.f32 v7, v21;
	[tilespmem:s15+$0x1E0] =	vst v6;
	v6 =	vld [tilespmem:s15+$0x250]  }
0x53: {  	v0 =	vld [tilespmem:s15+$0x82F0];
	v8 =	vsub.f32 v8, v22  }
0x54: {  	[tilespmem:s15+$0x1F0] =	vst v7;
	v7 =	vsub.f32 v9, v23;
	v9 =	vld [tilespmem:s15+$0x270]  }
0x55: {  	v13 =	vld [tilespmem:s15+$0x260];
	[tilespmem:s15+$0x200] =	vst v8;
	v8 =	vsub.f32 v10, v24  }
0x56: {  	v10 =	vld [tilespmem:s15+$0x280];
	[tilespmem:s15+$0x210] =	vst v7;
	v7 =	vsub.f32 v11, v25  }
0x57: {  	[tilespmem:s15+$0x220] =	vst v8;
	v11 =	vld [tilespmem:s15+$0x290];
	v8 =	vsub.f32 v12, v26;
	v12 =	vsub.f32 v6, v27  }
0x58: {  	[tilespmem:s15+$0x230] =	vst v7;
	v7 =	vld [tilespmem:s15+$0x2A0]  }
0x59: {  	v6 =	vld [tilespmem:s15+$0x2B0];
	[tilespmem:s15+$0x250] =	vst v12;
	v12 =	vsub.f32 v9, v29  }
0x5a: {  	v13 =	vsub.f32 v13, v28;
	[tilespmem:s15+$0x240] =	vst v8;
	v8 =	vld [tilespmem:s15+$0x2C0]  }
0x5b: {  	v9 =	vld [tilespmem:s15+$0x2D0];
	[tilespmem:s15+$0x270] =	vst v12;
	v12 =	vsub.f32 v10, v30  }
0x5c: {  	s16 =	simm.s32 $0x800;
	[tilespmem:s15+$0x260] =	vst v13;
	v11 =	vsub.f32 v11, v31;
	v10 =	vld [tilespmem:s15+$0x2E0]  }
.LBB2_2:
0x5d: {  	s17 =	sshra.s32 s16, $0x2;
	p0 =	sne.s32 s16, $0x1F800;
	[tilespmem:s15+$0x280] =	vst v12;
	v5 =	vsub.f32 v7, v5;
	v7 =	vld [tilespmem:s15+$0x2F0]  }
0x5e: {  	v12 =	vld [tilespmem:s17+$0x8100];
	[tilespmem:s15+$0x290] =	vst v11;
	v4 =	vsub.f32 v6, v4  }
0x5f: {  	v6 =	vld [tilespmem:s17+$0x8110];
	[tilespmem:s15+$0x2A0] =	vst v5;
	v3 =	vsub.f32 v8, v3  }
0x60: {  	v8 =	vld [tilespmem:s17+$0x8120];
	[tilespmem:s15+$0x2B0] =	vst v4;
	v2 =	vsub.f32 v9, v2  }
0x61: {  	v9 =	vld [tilespmem:s17+$0x8130];
	[tilespmem:s15+$0x2C0] =	vst v3;
	v1 =	vsub.f32 v10, v1  }
0x62: {  	v10 =	vld [tilespmem:s17+$0x8140];
	[tilespmem:s15+$0x2D0] =	vst v2;
	v0 =	vsub.f32 v7, v0  }
0x63: {  	v7 =	vld [tilespmem:s17+$0x8150];
	[tilespmem:s15+$0x2E0] =	vst v1  }
0x64: {  	v11 =	vld [tilespmem:s17+$0x8160];
	[tilespmem:s15+$0x2F0] =	vst v0;
	s15 =	smov.u32 s17  }
0x65: {  	v13 =	vld [tilespmem:s15+$0x8170]  }
0x66: {  	v14 =	vld [tilespmem:s15+$0x8180]  }
0x67: {  	v15 =	vld [tilespmem:s15+$0x8190]  }
0x68: {  	v16 =	vld [tilespmem:s15+$0x81A0]  }
0x69: {  	v17 =	vld [tilespmem:s15+$0x81B0]  }
0x6a: {  	v18 =	vld [tilespmem:s15+$0x81C0]  }
0x6b: {  	v19 =	vld [tilespmem:s15+$0x81D0]  }
0x6c: {  	v20 =	vld [tilespmem:s15+$0x81E0]  }
0x6d: {  	v21 =	vld [tilespmem:s15+$0x81F0]  }
0x6e: {  	v22 =	vld [tilespmem:s15+$0x8200]  }
0x6f: {  	v23 =	vld [tilespmem:s15+$0x8210]  }
0x70: {  	v24 =	vld [tilespmem:s15+$0x8220]  }
0x71: {  	v25 =	vld [tilespmem:s15+$0x8230]  }
0x72: {  	v26 =	vld [tilespmem:s15+$0x8240]  }
0x73: {  	v27 =	vld [tilespmem:s15+$0x8250]  }
0x74: {  	v28 =	vld [tilespmem:s15+$0x8260]  }
0x75: {  	v29 =	vld [tilespmem:s15+$0x8270]  }
0x76: {  	v30 =	vld [tilespmem:s15+$0x8280]  }
0x77: {  	v31 =	vld [tilespmem:s15+$0x8290]  }
0x78: {  	v5 =	vld [tilespmem:s15+$0x82A0]  }
0x79: {  	v4 =	vld [tilespmem:s15+$0x82B0]  }
0x7a: {  	v3 =	vld [tilespmem:s15+$0x82C0]  }
0x7b: {  	v2 =	vld [tilespmem:s15+$0x82D0]  }
0x7c: {  	v1 =	vld [tilespmem:s15+$0x82E0]  }
0x7d: {  	v0 =	vld [tilespmem:s15+$0x82F0]  }
0x7e: {  	v32 =	vld [tilespmem:s15+$0x100]  }
0x7f: {  	v33 =	vld [tilespmem:s15+$0x110]  }
0x80: {  	v34 =	vld [tilespmem:s15+$0x120]  }
0x81: {  	v35 =	vld [tilespmem:s15+$0x130]  }
0x82: {  	v36 =	vld [tilespmem:s15+$0x140]  }
0x83: {  	v12 =	vsub.f32 v32, v12;
	v32 =	vld [tilespmem:s15+$0x150]  }
0x84: {  	v6 =	vsub.f32 v33, v6;
	v33 =	vld [tilespmem:s15+$0x160]  }
0x85: {  	[tilespmem:s15+$0x100] =	vst v12;
	v8 =	vsub.f32 v34, v8;
	v12 =	vld [tilespmem:s15+$0x170]  }
0x86: {  	[tilespmem:s15+$0x110] =	vst v6;
	v6 =	vsub.f32 v35, v9;
	v9 =	vld [tilespmem:s15+$0x180]  }
0x87: {  	[tilespmem:s15+$0x120] =	vst v8;
	v8 =	vsub.f32 v36, v10;
	v10 =	vld [tilespmem:s15+$0x190]  }
0x88: {  	[tilespmem:s15+$0x130] =	vst v6;
	v6 =	vsub.f32 v32, v7;
	v7 =	vld [tilespmem:s15+$0x1A0]  }
0x89: {  	[tilespmem:s15+$0x140] =	vst v8;
	v8 =	vsub.f32 v33, v11;
	v11 =	vld [tilespmem:s15+$0x1B0]  }
0x8a: {  	[tilespmem:s15+$0x150] =	vst v6;
	v6 =	vsub.f32 v12, v13;
	v12 =	vld [tilespmem:s15+$0x1C0]  }
0x8b: {  	[tilespmem:s15+$0x160] =	vst v8;
	v8 =	vsub.f32 v9, v14;
	v9 =	vld [tilespmem:s15+$0x1D0]  }
0x8c: {  	[tilespmem:s15+$0x170] =	vst v6;
	v6 =	vsub.f32 v10, v15;
	v10 =	vld [tilespmem:s15+$0x1E0]  }
0x8d: {  	[tilespmem:s15+$0x180] =	vst v8;
	v7 =	vsub.f32 v7, v16;
	v8 =	vld [tilespmem:s15+$0x1F0]  }
0x8e: {  	[tilespmem:s15+$0x190] =	vst v6;
	v6 =	vsub.f32 v11, v17;
	v11 =	vld [tilespmem:s15+$0x200]  }
0x8f: {  	[tilespmem:s15+$0x1A0] =	vst v7;
	v7 =	vsub.f32 v12, v18;
	v12 =	vld [tilespmem:s15+$0x210]  }
0x90: {  	[tilespmem:s15+$0x1B0] =	vst v6;
	v6 =	vsub.f32 v9, v19;
	v9 =	vld [tilespmem:s15+$0x220]  }
0x91: {  	[tilespmem:s15+$0x1C0] =	vst v7;
	v7 =	vsub.f32 v10, v20;
	v10 =	vld [tilespmem:s15+$0x230]  }
0x92: {  	[tilespmem:s15+$0x1D0] =	vst v6;
	v6 =	vsub.f32 v8, v21;
	v8 =	vld [tilespmem:s15+$0x240]  }
0x93: {  	[tilespmem:s15+$0x1E0] =	vst v7;
	v7 =	vsub.f32 v11, v22;
	v11 =	vld [tilespmem:s15+$0x250]  }
0x94: {  	[tilespmem:s15+$0x1F0] =	vst v6;
	v6 =	vsub.f32 v12, v23;
	v12 =	vld [tilespmem:s15+$0x260]  }
0x95: {  	[tilespmem:s15+$0x200] =	vst v7;
	v7 =	vsub.f32 v9, v24;
	v9 =	vld [tilespmem:s15+$0x270]  }
0x96: {  	[tilespmem:s15+$0x210] =	vst v6;
	v6 =	vsub.f32 v10, v25;
	v10 =	vld [tilespmem:s15+$0x280]  }
0x97: {  	[tilespmem:s15+$0x220] =	vst v7;
	v8 =	vsub.f32 v8, v26;
	v13 =	vld [tilespmem:s15+$0x290]  }
.Ltmp0:
0x98: {  	[tilespmem:s15+$0x230] =	vst v6;
	v11 =	vsub.f32 v11, v27;
	v7 =	vld [tilespmem:s15+$0x2A0];
	(pc) =	sbr.rel @p0 .LBB2_2-.Ltmp0, $4  }
0x99: {  	[tilespmem:s15+$0x240] =	vst v8;
	v12 =	vsub.f32 v12, v28;
	v6 =	vld [tilespmem:s15+$0x2B0]  }
0x9a: {  	[tilespmem:s15+$0x250] =	vst v11;
	v11 =	vsub.f32 v9, v29;
	v8 =	vld [tilespmem:s15+$0x2C0]  }
0x9b: {  	[tilespmem:s15+$0x260] =	vst v12;
	v12 =	vsub.f32 v10, v30;
	v9 =	vld [tilespmem:s15+$0x2D0]  }
0x9c: {  	s16 =	sadd.s32 $0x800, s16;
	[tilespmem:s15+$0x270] =	vst v11;
	v11 =	vsub.f32 v13, v31;
	v10 =	vld [tilespmem:s15+$0x2E0]  }
0x9d: {  	[tilespmem:s15+$0x280] =	vst v12;
	v5 =	vsub.f32 v7, v5;
	v63 =	vld [tilespmem:s15+$0x2F0]  }
0x9e: {  	[tilespmem:s15+$0x290] =	vst v11;
	v4 =	vsub.f32 v6, v4  }
0x9f: {  	[tilespmem:s15+$0x2A0] =	vst v5;
	v3 =	vsub.f32 v8, v3  }
0xa0: {  	[tilespmem:s15+$0x2B0] =	vst v4;
	v2 =	vsub.f32 v9, v2  }
0xa1: {  	[tilespmem:s15+$0x2C0] =	vst v3;
	v1 =	vsub.f32 v10, v1  }
0xa2: {  	s14 =	sadd.s32 $0x1, s14;
	[tilespmem:s15+$0x2D0] =	vst v2;
	v0 =	vsub.f32 v63, v0  }
0xa3: {  	p0 =	sne.s32 s14, s7;
	[tilespmem:s15+$0x2E0] =	vst v1  }
.Ltmp1:
0xa4: {  	[tilespmem:s15+$0x2F0] =	vst v0;
	(pc) =	sbr.rel @p0 .LBB2_1-.Ltmp1, $4  }
0xa5: {  	[hbm4b:s6+s3] =	stream.linear.scatter [tilespmem:s9], [sflag:$0x2], $0x8000, $0x38;
	[tilespmem:$0x10100] =	vst v63  }
0xa6: {  	_ =	swait.ge [sflag:s8], $0x8000  }
0xa7: {  	[sflag:s8] =	ssyncset.done $0x0  }
0xa8: {  	[sflag:s8] =	ssyncadd.s32 $0xFFFF8000  }
0xa9: {  	_ =	sfence.sel $0x180000  }
0xaa: {  	[bflag:$0x0] =	sbarrier.arrive $0xFFFF  }
0xab: {  	p0 =	sne.s32 s2, $0x0;
	_ =	strace $0x90000047  }
0xac: {  	s0 =	sadd.s32 @!p0 $0x100000, s0;
	[bflag:$0x2] =	sbarrier.arrive $0xFFFF  }
0xad: {  	[sflag:s0] =	ssyncadd.tile.s32 @!p0 $0x1;
	_ =	shalt  }
.Lfunc_end2:
_tile_overlayer_lowered:
.L_overlay_start_2:
0xae: {  	(tag) =	ssettag $0x2  }
0xaf: {  	s0 =	rddreg [dreg:$0x0];
	s2 =	stileid.u32  }
0xb0: {  	s1 =	rddreg [dreg:$0x1];
	p0 =	sne.s32 s2, $0x0  }
0xb1: {  	s3 =	rddreg [dreg:$0x2];
	[bflag:$0x3] =	sbarrier.arrive $0xFFFF;
	s2 =	simm.s32 @!p0 $0x1C02  }
0xb2: {  	[timem:s3], [sflag:s2] =	dma.local @!p0 [hbm:s0], s1  }
0xb3: {  	s0 =	simm.s32 @!p0 $0x2  }
0xb4: {  	_ =	swait.ge @!p0 [sflag:s0], s1  }
0xb5: {  	s1 =	ssub.s32 @!p0 $0x0, s1;
	[sflag:s0] =	ssyncset.done @!p0 $0x0  }
0xb6: {  	[sflag:s0] =	ssyncadd.s32 @!p0 s1  }
0xb7: {  	[bflag:$0x3] =	sbarrier.arrive $0xFFFF  }
0xb8: {  	_ =	shalt  }

</sc_bundles>
